<compile_context>
chip_gen: v7x
topology: tpu7x:2x2x1
jax: 0.10.2.dev20260603
libtpu: 0.0.44.dev20260713+nightly
codegen_flags: <defaults>
</compile_context>

<pallas_src>
import math

import jax
import jax.numpy as jnp
from jax import lax
from jax.experimental import pallas as pl
from jax.experimental.pallas import tpu as pltpu
from jax.experimental.pallas import tpu_sc as plsc

VOCAB = 100000
D = 64
BATCH = 1024
SEQ = 200
THETA = 10000.0

NC, NS, L = 2, 16, 16
NW = NC * NS
ROWS = BATCH * SEQ
RPW = ROWS // NW
CHUNK = 128
NCHUNK = RPW // CHUNK


def _rope_coeffs():
    scale = math.sqrt(D)
    freqs = 1.0 / (THETA ** (jnp.arange(0, D, 2).astype(jnp.float32) / D))
    pos = jnp.arange(SEQ).astype(jnp.float32)[:, None]
    cos = jnp.cos(pos * freqs[None, :]) * scale
    sin = jnp.sin(pos * freqs[None, :]) * scale
    a = jnp.repeat(cos, 2, axis=1)
    b = jnp.stack([-sin, sin], axis=-1).reshape(SEQ, D)
    return a, b


_GATHER_DNUMS = lax.GatherDimensionNumbers(
    offset_dims=(), collapsed_slice_dims=(0,), start_index_map=(0,))


def _swap_pairs(v, perm2d):
    return lax.gather(v, perm2d, dimension_numbers=_GATHER_DNUMS,
                      slice_sizes=(1,),
                      mode=lax.GatherScatterMode.PROMISE_IN_BOUNDS)


def _sc_body(table_hbm, x_hbm, a_hbm, b_hbm, out_hbm,
             idx_v, in0, in1, out0, out1, a_v, b_v,
             gsem0, gsem1, ssem0, ssem1):
    w = lax.axis_index("s") * NC + lax.axis_index("c")
    row_base = w * RPW

    pltpu.sync_copy(x_hbm.at[pl.ds(row_base, RPW)], idx_v)
    pltpu.sync_copy(a_hbm, a_v)
    pltpu.sync_copy(b_hbm, b_v)

    perm2d = (lax.iota(jnp.int32, 16) ^ 1)[:, None]

    inbufs = (in0, in1)
    outbufs = (out0, out1)
    gsems = (gsem0, gsem1)
    ssems = (ssem0, ssem1)

    def start_gather(c, j):
        pltpu.async_copy(table_hbm.at[idx_v.at[pl.ds(c * CHUNK, CHUNK)]],
                         inbufs[j], gsems[j])

    def wait_gather(j):
        pltpu.make_async_copy(table_hbm.at[pl.ds(0, CHUNK)],
                              inbufs[j], gsems[j]).wait()

    def start_store(c, j):
        pltpu.async_copy(outbufs[j],
                         out_hbm.at[pl.ds(row_base + c * CHUNK, CHUNK)],
                         ssems[j])

    def wait_store(j):
        pltpu.make_async_copy(outbufs[j],
                              out_hbm.at[pl.ds(row_base, CHUNK)],
                              ssems[j]).wait()

    def compute(c, j):
        pbase = c * CHUNK
        inb = inbufs[j]
        outb = outbufs[j]

        @plsc.parallel_loop(0, CHUNK, 1, unroll=8)
        def row(i):
            p = lax.rem(pbase + i, SEQ)
            for k in range(D // L):
                sl = pl.ds(k * L, L)
                v = inb[i, sl]
                sw = _swap_pairs(v, perm2d)
                outb[i, sl] = v * a_v[p, sl] + sw * b_v[p, sl]

    start_gather(0, 0)

    def step(t, _):
        for j in range(2):
            c = 2 * t + j

            @pl.when(c < NCHUNK - 1)
            def _():
                start_gather(c + 1, 1 - j)

            wait_gather(j)

            @pl.when(c >= 2)
            def _():
                wait_store(j)
            compute(c, j)
            start_store(c, j)
        return 0

    lax.fori_loop(0, NCHUNK // 2, step, 0)
    wait_store(0)
    wait_store(1)


@jax.jit
def _run(table, x_flat, a, b):
    mesh = plsc.VectorSubcoreMesh(core_axis_name="c", subcore_axis_name="s")
    kern = pl.kernel(
        _sc_body,
        out_type=jax.ShapeDtypeStruct((ROWS, D), jnp.float32),
        mesh=mesh,
        scratch_types=[
            pltpu.VMEM((RPW,), jnp.int32),
            pltpu.VMEM((CHUNK, 2 * D), jnp.float32),
            pltpu.VMEM((CHUNK, 2 * D), jnp.float32),
            pltpu.VMEM((CHUNK, D), jnp.float32),
            pltpu.VMEM((CHUNK, D), jnp.float32),
            pltpu.VMEM((SEQ, D), jnp.float32),
            pltpu.VMEM((SEQ, D), jnp.float32),
            pltpu.SemaphoreType.DMA,
            pltpu.SemaphoreType.DMA,
            pltpu.SemaphoreType.DMA,
            pltpu.SemaphoreType.DMA,
        ],
        name="rope_embed_sc",
    )
    return kern(table, x_flat, a, b)


def kernel(x, table):
    a, b = _rope_coeffs()
    x_flat = x.astype(jnp.int32).reshape(ROWS)
    table_pad = jnp.pad(table, ((0, 0), (0, D)))
    out = _run(table_pad, x_flat, a, b)
    return out.reshape(BATCH, SEQ, D)

# --- scband reference (transcript-rebuilt; emitter-appended) ---
"""Pipeline reference for scband-ro-peembedder-91182155694401 (READ-ONLY COPY).

The authoritative reference and input builder live on the scoring server;
editing this copy changes nothing except your own understanding.
"""

import math
import jax, jax.numpy as jnp
import numpy as np

VOCAB = 100000
EMBED_DIM = 64
BATCH = 1024
SEQ_LEN = 200
THETA = 10000.0

def setup_inputs(seed: int = 0) -> dict:
    key = jax.random.key(seed)
    k1, k2 = jax.random.split(key)
    x = jax.random.randint(k1, (BATCH, SEQ_LEN), 0, VOCAB, dtype=jnp.int64 if jax.config.jax_enable_x64 else jnp.int32)
    table = jax.random.normal(k2, (VOCAB, EMBED_DIM), dtype=jnp.float32)
    return {"x": x, "table": table}

def reference(x, table):
    embed_dim = table.shape[1]
    seq_len = x.shape[1]
    # embedding lookup + scale
    emb = jnp.take(table, x, axis=0) * math.sqrt(embed_dim)
    # RoPE cached angles (recomputed identically to the torch buffers)
    freqs = 1.0 / (THETA ** (jnp.arange(0, embed_dim, 2).astype(jnp.float32) / embed_dim))
    positions = jnp.arange(seq_len).astype(jnp.float32)[:, None]
    angles = positions * freqs[None, :]
    cos = jnp.cos(angles)
    sin = jnp.sin(angles)
    xr = emb.reshape(emb.shape[0], emb.shape[1], -1, 2)
    x1 = xr[..., 0]
    x2 = xr[..., 1]
    x1_rot = x1 * cos - x2 * sin
    x2_rot = x1 * sin + x2 * cos
    out = jnp.stack([x1_rot, x2_rot], axis=-1).reshape(emb.shape[0], emb.shape[1], embed_dim)
    # dropout p=0.0 (eval) -> identity
    return out

if __name__ == "__main__":
    import jax
    _d = setup_inputs()
    print(jax.jit(kernel)(*tuple(_d.values())))

</pallas_src>

<mosaic_0001>
#map = affine_map<(d0, d1) -> (0, 0)>
#map1 = affine_map<(d0, d1) -> (0)>
module attributes {stable_mosaic.version = 14 : i64} {
  func.func @rope_embed_sc(%arg0: i32, %arg1: i32, %arg2: memref<100000x128xf32, #tpu.memory_space<hbm>>, %arg3: memref<204800xi32, #tpu.memory_space<hbm>>, %arg4: memref<200x64xf32, #tpu.memory_space<hbm>>, %arg5: memref<200x64xf32, #tpu.memory_space<hbm>>, %arg6: memref<204800x64xf32, #tpu.memory_space<hbm>>, %arg7: memref<6400xi32, #tpu.memory_space<vmem>>, %arg8: memref<128x128xf32, #tpu.memory_space<vmem>>, %arg9: memref<128x128xf32, #tpu.memory_space<vmem>>, %arg10: memref<128x64xf32, #tpu.memory_space<vmem>>, %arg11: memref<128x64xf32, #tpu.memory_space<vmem>>, %arg12: memref<200x64xf32, #tpu.memory_space<vmem>>, %arg13: memref<200x64xf32, #tpu.memory_space<vmem>>, %arg14: memref<!tpu.dma_semaphore, #tpu.memory_space<semaphore_mem>>, %arg15: memref<!tpu.dma_semaphore, #tpu.memory_space<semaphore_mem>>, %arg16: memref<!tpu.dma_semaphore, #tpu.memory_space<semaphore_mem>>, %arg17: memref<!tpu.dma_semaphore, #tpu.memory_space<semaphore_mem>>) attributes {dimension_semantics = [#tpu.dimension_semantics<core_parallel>, #tpu.dimension_semantics<subcore_parallel>], iteration_bounds = array<i64: 2, 16>, scalar_prefetch = 0 : i64, scratch_operands = 11 : i64, tpu.core_type = #tpu.core_type<sc_vector_subcore>, window_params = [{transform_indices = #map}, {transform_indices = #map1}, {transform_indices = #map}, {transform_indices = #map}, {transform_indices = #map}]} {
    %mul3A = arith.constant 2 : i32
    %mul3A_0 = arith.muli %arg1, %mul3A : i32
    %add3A = arith.addi %mul3A_0, %arg0 : i32
    %mul3A_1 = arith.constant 6400 : i32
    %mul3A_2 = arith.muli %add3A, %mul3A_1 : i32
    "tpu.region"() ({
      %run_scoped3A = tpu.sem_alloc : memref<!tpu.dma_semaphore, #tpu.memory_space<semaphore_mem>>
      %dma_start3A_22 = tpu.memref_slice %arg3[%mul3A_2] : memref<204800xi32, #tpu.memory_space<hbm>> -> memref<6400xi32, #tpu.memory_space<hbm>>
      %dma_start3A_23 = tpu.memref_slice %arg3[%mul3A_2] : memref<204800xi32, #tpu.memory_space<hbm>> -> memref<6400xi32, #tpu.memory_space<hbm>>
      tpu.enqueue_dma source(%dma_start3A_23 : memref<6400xi32, #tpu.memory_space<hbm>>) target(%arg7 : memref<6400xi32, #tpu.memory_space<vmem>>) target_semaphore(%run_scoped3A : memref<!tpu.dma_semaphore, #tpu.memory_space<semaphore_mem>>)
      %dma_wait3A_24 = tpu.memref_slice %arg3[%mul3A_2] : memref<204800xi32, #tpu.memory_space<hbm>> -> memref<6400xi32, #tpu.memory_space<hbm>>
      %dma_wait3A_25 = tpu.memref_slice %arg3[%mul3A_2] : memref<204800xi32, #tpu.memory_space<hbm>> -> memref<6400xi32, #tpu.memory_space<hbm>>
      tpu.wait_dma2 semaphore(%run_scoped3A : memref<!tpu.dma_semaphore, #tpu.memory_space<semaphore_mem>>) src(%dma_wait3A_25 : memref<6400xi32, #tpu.memory_space<hbm>>) dst(%arg7 : memref<6400xi32, #tpu.memory_space<vmem>>)
      tpu.yield
    }) : () -> ()
    "tpu.region"() ({
      %run_scoped3A = tpu.sem_alloc : memref<!tpu.dma_semaphore, #tpu.memory_space<semaphore_mem>>
      tpu.enqueue_dma source(%arg4 : memref<200x64xf32, #tpu.memory_space<hbm>>) target(%arg12 : memref<200x64xf32, #tpu.memory_space<vmem>>) target_semaphore(%run_scoped3A : memref<!tpu.dma_semaphore, #tpu.memory_space<semaphore_mem>>)
      tpu.wait_dma2 semaphore(%run_scoped3A : memref<!tpu.dma_semaphore, #tpu.memory_space<semaphore_mem>>) src(%arg4 : memref<200x64xf32, #tpu.memory_space<hbm>>) dst(%arg12 : memref<200x64xf32, #tpu.memory_space<vmem>>)
      tpu.yield
    }) : () -> ()
    "tpu.region"() ({
      %run_scoped3A = tpu.sem_alloc : memref<!tpu.dma_semaphore, #tpu.memory_space<semaphore_mem>>
      tpu.enqueue_dma source(%arg5 : memref<200x64xf32, #tpu.memory_space<hbm>>) target(%arg13 : memref<200x64xf32, #tpu.memory_space<vmem>>) target_semaphore(%run_scoped3A : memref<!tpu.dma_semaphore, #tpu.memory_space<semaphore_mem>>)
      tpu.wait_dma2 semaphore(%run_scoped3A : memref<!tpu.dma_semaphore, #tpu.memory_space<semaphore_mem>>) src(%arg5 : memref<200x64xf32, #tpu.memory_space<hbm>>) dst(%arg13 : memref<200x64xf32, #tpu.memory_space<vmem>>)
      tpu.yield
    }) : () -> ()
    %iota3A = tpu.iota {dimensions = array<i32: 0>} : vector<16xi32>
    %xor3A = arith.constant 1 : i32
    %xor3A_3 = vector.broadcast %xor3A : i32 to vector<16xi32>
    %xor3A_4 = arith.xori %iota3A, %xor3A_3 : vector<16xi32>
    %broadcast_in_dim3A = vector.shape_cast %xor3A_4 : vector<16xi32> to vector<16x1xi32>
    %dma_start3A = arith.constant 0 : i32
    %dma_start3A_5 = tpu.memref_slice %arg7[%dma_start3A] : memref<6400xi32, #tpu.memory_space<vmem>> -> memref<128xi32, #tpu.memory_space<vmem>>
    %dma_start3A_6 = arith.constant 0 : i32
    %dma_start3A_7 = arith.constant 0 : i32
    %dma_start3A_8 = tpu.memref_slice %arg2[%dma_start3A_6, %dma_start3A_7] : memref<100000x128xf32, #tpu.memory_space<hbm>> -> memref<100000x128xf32, #tpu.memory_space<hbm>>
    tpu.enqueue_indirect_dma source(%dma_start3A_8 : memref<100000x128xf32, #tpu.memory_space<hbm>>) target(%arg8 : memref<128x128xf32, #tpu.memory_space<vmem>>) offsets(%dma_start3A_5 : memref<128xi32, #tpu.memory_space<vmem>>) semaphore(%arg14 : memref<!tpu.dma_semaphore, #tpu.memory_space<semaphore_mem>>)
    %scan3A = arith.constant 0 : i32
    %scan3A_9 = arith.constant 0 : i32
    %scan3A_10 = arith.constant 25 : i32
    %scan3A_11 = arith.addi %scan3A_9, %scan3A_10 : i32
    %scan3A_12 = arith.constant 1 : i32
    %scan3A_13 = scf.for %scan3A_22 = %scan3A_9 to %scan3A_11 step %scan3A_12 iter_args(%scan3A_23 = %scan3A) -> (i32)  : i32 {
      %mul3A_24 = arith.constant 2 : i32
      %mul3A_25 = arith.muli %mul3A_24, %scan3A_22 : i32
      %add3A_26 = arith.constant 0 : i32
      %add3A_27 = arith.addi %mul3A_25, %add3A_26 : i32
      %lt3A = arith.constant 49 : i32
      %lt3A_28 = arith.cmpi slt, %add3A_27, %lt3A : i32
      %convert_element_type3A = arith.extui %lt3A_28 : i1 to i32
      %cond3A = arith.constant 0 : i32
      %cond3A_29 = arith.cmpi ne, %convert_element_type3A, %cond3A : i32
      scf.if %cond3A_29 {
        %add3A_84 = arith.constant 1 : i32
        %add3A_85 = arith.addi %add3A_27, %add3A_84 : i32
        %mul3A_86 = arith.constant 128 : i32
        %mul3A_87 = arith.muli %add3A_85, %mul3A_86 : i32
        %dma_start3A_88 = tpu.memref_slice %arg7[%mul3A_87] : memref<6400xi32, #tpu.memory_space<vmem>> -> memref<128xi32, #tpu.memory_space<vmem>>
        %dma_start3A_89 = arith.constant 0 : i32
        %dma_start3A_90 = arith.constant 0 : i32
        %dma_start3A_91 = tpu.memref_slice %arg2[%dma_start3A_89, %dma_start3A_90] : memref<100000x128xf32, #tpu.memory_space<hbm>> -> memref<100000x128xf32, #tpu.memory_space<hbm>>
        tpu.enqueue_indirect_dma source(%dma_start3A_91 : memref<100000x128xf32, #tpu.memory_space<hbm>>) target(%arg9 : memref<128x128xf32, #tpu.memory_space<vmem>>) offsets(%dma_start3A_88 : memref<128xi32, #tpu.memory_space<vmem>>) semaphore(%arg15 : memref<!tpu.dma_semaphore, #tpu.memory_space<semaphore_mem>>)
      } else {
      }
      %dma_wait3A_30 = arith.constant 0 : i32
      %dma_wait3A_31 = arith.constant 0 : i32
      %dma_wait3A_32 = tpu.memref_slice %arg2[%dma_wait3A_30, %dma_wait3A_31] : memref<100000x128xf32, #tpu.memory_space<hbm>> -> memref<128x128xf32, #tpu.memory_space<hbm>>
      %dma_wait3A_33 = arith.constant 0 : i32
      %dma_wait3A_34 = arith.constant 0 : i32
      %dma_wait3A_35 = tpu.memref_slice %arg2[%dma_wait3A_33, %dma_wait3A_34] : memref<100000x128xf32, #tpu.memory_space<hbm>> -> memref<128x128xf32, #tpu.memory_space<hbm>>
      tpu.wait_dma2 semaphore(%arg14 : memref<!tpu.dma_semaphore, #tpu.memory_space<semaphore_mem>>) src(%dma_wait3A_35 : memref<128x128xf32, #tpu.memory_space<hbm>>) dst(%arg8 : memref<128x128xf32, #tpu.memory_space<vmem>>)
      %ge3A = arith.constant 2 : i32
      %ge3A_36 = arith.cmpi sge, %add3A_27, %ge3A : i32
      %convert_element_type3A_37 = arith.extui %ge3A_36 : i1 to i32
      %cond3A_38 = arith.constant 0 : i32
      %cond3A_39 = arith.cmpi ne, %convert_element_type3A_37, %cond3A_38 : i32
      scf.if %cond3A_39 {
        %dma_wait3A_84 = arith.constant 0 : i32
        %dma_wait3A_85 = tpu.memref_slice %arg6[%mul3A_2, %dma_wait3A_84] : memref<204800x64xf32, #tpu.memory_space<hbm>> -> memref<128x64xf32, #tpu.memory_space<hbm>>
        %dma_wait3A_86 = arith.constant 0 : i32
        %dma_wait3A_87 = tpu.memref_slice %arg6[%mul3A_2, %dma_wait3A_86] : memref<204800x64xf32, #tpu.memory_space<hbm>> -> memref<128x64xf32, #tpu.memory_space<hbm>>
        tpu.wait_dma2 semaphore(%arg16 : memref<!tpu.dma_semaphore, #tpu.memory_space<semaphore_mem>>) src(%arg10 : memref<128x64xf32, #tpu.memory_space<vmem>>) dst(%dma_wait3A_87 : memref<128x64xf32, #tpu.memory_space<hbm>>)
      } else {
      }
      %mul3A_40 = arith.constant 128 : i32
      %mul3A_41 = arith.muli %add3A_27, %mul3A_40 : i32
      %parallel_loop3A = arith.constant 0 : i32
      %parallel_loop3A_42 = arith.constant 128 : i32
      %parallel_loop3A_43 = arith.constant 1 : i32
      scf.for %parallel_loop3A_84 = %parallel_loop3A to %parallel_loop3A_42 step %parallel_loop3A_43  : i32 {
        %parallel_loop3A_85 = arith.addi %mul3A_41, %parallel_loop3A_84 : i32
        %parallel_loop3A_86 = arith.constant 200 : i32
        %parallel_loop3A_87 = arith.remsi %parallel_loop3A_85, %parallel_loop3A_86 : i32
        %parallel_loop3A_88 = arith.index_cast %parallel_loop3A_84 : i32 to index
        %parallel_loop3A_89 = arith.constant 0 : index
        %parallel_loop3A_90 = tpu.vector_load %arg8[%parallel_loop3A_88, %parallel_loop3A_89] {strides = array<i32>} : memref<128x128xf32, #tpu.memory_space<vmem>>, vector<1x16xf32>,
        %parallel_loop3A_91 = vector.shape_cast %parallel_loop3A_90 : vector<1x16xf32> to vector<16xf32>
        %parallel_loop3A_92 = vector.shape_cast %broadcast_in_dim3A : vector<16x1xi32> to vector<16xi32>
        %parallel_loop3A_93 = tpu.dynamic_gather %parallel_loop3A_91[%parallel_loop3A_92] in [0] : vector<16xf32>, vector<16xi32> -> vector<16xf32>
        %parallel_loop3A_94 = arith.index_cast %parallel_loop3A_87 : i32 to index
        %parallel_loop3A_95 = arith.constant 0 : index
        %parallel_loop3A_96 = tpu.vector_load %arg12[%parallel_loop3A_94, %parallel_loop3A_95] {strides = array<i32>} : memref<200x64xf32, #tpu.memory_space<vmem>>, vector<1x16xf32>,
        %parallel_loop3A_97 = vector.shape_cast %parallel_loop3A_96 : vector<1x16xf32> to vector<16xf32>
        %parallel_loop3A_98 = arith.mulf %parallel_loop3A_91, %parallel_loop3A_97 : vector<16xf32>
        %parallel_loop3A_99 = arith.index_cast %parallel_loop3A_87 : i32 to index
        %parallel_loop3A_100 = arith.constant 0 : index
        %parallel_loop3A_101 = tpu.vector_load %arg13[%parallel_loop3A_99, %parallel_loop3A_100] {strides = array<i32>} : memref<200x64xf32, #tpu.memory_space<vmem>>, vector<1x16xf32>,
        %parallel_loop3A_102 = vector.shape_cast %parallel_loop3A_101 : vector<1x16xf32> to vector<16xf32>
        %parallel_loop3A_103 = arith.mulf %parallel_loop3A_93, %parallel_loop3A_102 : vector<16xf32>
        %parallel_loop3A_104 = arith.addf %parallel_loop3A_98, %parallel_loop3A_103 : vector<16xf32>
        %parallel_loop3A_105 = arith.index_cast %parallel_loop3A_84 : i32 to index
        %parallel_loop3A_106 = arith.constant 0 : index
        %parallel_loop3A_107 = tpu.vector_load %arg10[%parallel_loop3A_105, %parallel_loop3A_106] {strides = array<i32>} : memref<128x64xf32, #tpu.memory_space<vmem>>, vector<1x16xf32>,
        %parallel_loop3A_108 = vector.shape_cast %parallel_loop3A_107 : vector<1x16xf32> to vector<16xf32>
        %parallel_loop3A_109 = vector.shape_cast %parallel_loop3A_104 : vector<16xf32> to vector<1x16xf32>
        tpu.vector_store %arg10[%parallel_loop3A_105, %parallel_loop3A_106], %parallel_loop3A_109 {strides = array<i32>} : memref<128x64xf32, #tpu.memory_space<vmem>>, vector<1x16xf32>,
        %parallel_loop3A_110 = arith.index_cast %parallel_loop3A_84 : i32 to index
        %parallel_loop3A_111 = arith.constant 16 : index
        %parallel_loop3A_112 = tpu.vector_load %arg8[%parallel_loop3A_110, %parallel_loop3A_111] {strides = array<i32>} : memref<128x128xf32, #tpu.memory_space<vmem>>, vector<1x16xf32>,
        %parallel_loop3A_113 = vector.shape_cast %parallel_loop3A_112 : vector<1x16xf32> to vector<16xf32>
        %parallel_loop3A_114 = vector.shape_cast %broadcast_in_dim3A : vector<16x1xi32> to vector<16xi32>
        %parallel_loop3A_115 = tpu.dynamic_gather %parallel_loop3A_113[%parallel_loop3A_114] in [0] : vector<16xf32>, vector<16xi32> -> vector<16xf32>
        %parallel_loop3A_116 = arith.index_cast %parallel_loop3A_87 : i32 to index
        %parallel_loop3A_117 = arith.constant 16 : index
        %parallel_loop3A_118 = tpu.vector_load %arg12[%parallel_loop3A_116, %parallel_loop3A_117] {strides = array<i32>} : memref<200x64xf32, #tpu.memory_space<vmem>>, vector<1x16xf32>,
        %parallel_loop3A_119 = vector.shape_cast %parallel_loop3A_118 : vector<1x16xf32> to vector<16xf32>
        %parallel_loop3A_120 = arith.mulf %parallel_loop3A_113, %parallel_loop3A_119 : vector<16xf32>
        %parallel_loop3A_121 = arith.index_cast %parallel_loop3A_87 : i32 to index
        %parallel_loop3A_122 = arith.constant 16 : index
        %parallel_loop3A_123 = tpu.vector_load %arg13[%parallel_loop3A_121, %parallel_loop3A_122] {strides = array<i32>} : memref<200x64xf32, #tpu.memory_space<vmem>>, vector<1x16xf32>,
        %parallel_loop3A_124 = vector.shape_cast %parallel_loop3A_123 : vector<1x16xf32> to vector<16xf32>
        %parallel_loop3A_125 = arith.mulf %parallel_loop3A_115, %parallel_loop3A_124 : vector<16xf32>
        %parallel_loop3A_126 = arith.addf %parallel_loop3A_120, %parallel_loop3A_125 : vector<16xf32>
        %parallel_loop3A_127 = arith.index_cast %parallel_loop3A_84 : i32 to index
        %parallel_loop3A_128 = arith.constant 16 : index
        %parallel_loop3A_129 = tpu.vector_load %arg10[%parallel_loop3A_127, %parallel_loop3A_128] {strides = array<i32>} : memref<128x64xf32, #tpu.memory_space<vmem>>, vector<1x16xf32>,
        %parallel_loop3A_130 = vector.shape_cast %parallel_loop3A_129 : vector<1x16xf32> to vector<16xf32>
        %parallel_loop3A_131 = vector.shape_cast %parallel_loop3A_126 : vector<16xf32> to vector<1x16xf32>
        tpu.vector_store %arg10[%parallel_loop3A_127, %parallel_loop3A_128], %parallel_loop3A_131 {strides = array<i32>} : memref<128x64xf32, #tpu.memory_space<vmem>>, vector<1x16xf32>,
        %parallel_loop3A_132 = arith.index_cast %parallel_loop3A_84 : i32 to index
        %parallel_loop3A_133 = arith.constant 32 : index
        %parallel_loop3A_134 = tpu.vector_load %arg8[%parallel_loop3A_132, %parallel_loop3A_133] {strides = array<i32>} : memref<128x128xf32, #tpu.memory_space<vmem>>, vector<1x16xf32>,
        %parallel_loop3A_135 = vector.shape_cast %parallel_loop3A_134 : vector<1x16xf32> to vector<16xf32>
        %parallel_loop3A_136 = vector.shape_cast %broadcast_in_dim3A : vector<16x1xi32> to vector<16xi32>
        %parallel_loop3A_137 = tpu.dynamic_gather %parallel_loop3A_135[%parallel_loop3A_136] in [0] : vector<16xf32>, vector<16xi32> -> vector<16xf32>
        %parallel_loop3A_138 = arith.index_cast %parallel_loop3A_87 : i32 to index
        %parallel_loop3A_139 = arith.constant 32 : index
        %parallel_loop3A_140 = tpu.vector_load %arg12[%parallel_loop3A_138, %parallel_loop3A_139] {strides = array<i32>} : memref<200x64xf32, #tpu.memory_space<vmem>>, vector<1x16xf32>,
        %parallel_loop3A_141 = vector.shape_cast %parallel_loop3A_140 : vector<1x16xf32> to vector<16xf32>
        %parallel_loop3A_142 = arith.mulf %parallel_loop3A_135, %parallel_loop3A_141 : vector<16xf32>
        %parallel_loop3A_143 = arith.index_cast %parallel_loop3A_87 : i32 to index
        %parallel_loop3A_144 = arith.constant 32 : index
        %parallel_loop3A_145 = tpu.vector_load %arg13[%parallel_loop3A_143, %parallel_loop3A_144] {strides = array<i32>} : memref<200x64xf32, #tpu.memory_space<vmem>>, vector<1x16xf32>,
        %parallel_loop3A_146 = vector.shape_cast %parallel_loop3A_145 : vector<1x16xf32> to vector<16xf32>
        %parallel_loop3A_147 = arith.mulf %parallel_loop3A_137, %parallel_loop3A_146 : vector<16xf32>
        %parallel_loop3A_148 = arith.addf %parallel_loop3A_142, %parallel_loop3A_147 : vector<16xf32>
        %parallel_loop3A_149 = arith.index_cast %parallel_loop3A_84 : i32 to index
        %parallel_loop3A_150 = arith.constant 32 : index
        %parallel_loop3A_151 = tpu.vector_load %arg10[%parallel_loop3A_149, %parallel_loop3A_150] {strides = array<i32>} : memref<128x64xf32, #tpu.memory_space<vmem>>, vector<1x16xf32>,
        %parallel_loop3A_152 = vector.shape_cast %parallel_loop3A_151 : vector<1x16xf32> to vector<16xf32>
        %parallel_loop3A_153 = vector.shape_cast %parallel_loop3A_148 : vector<16xf32> to vector<1x16xf32>
        tpu.vector_store %arg10[%parallel_loop3A_149, %parallel_loop3A_150], %parallel_loop3A_153 {strides = array<i32>} : memref<128x64xf32, #tpu.memory_space<vmem>>, vector<1x16xf32>,
        %parallel_loop3A_154 = arith.index_cast %parallel_loop3A_84 : i32 to index
        %parallel_loop3A_155 = arith.constant 48 : index
        %parallel_loop3A_156 = tpu.vector_load %arg8[%parallel_loop3A_154, %parallel_loop3A_155] {strides = array<i32>} : memref<128x128xf32, #tpu.memory_space<vmem>>, vector<1x16xf32>,
        %parallel_loop3A_157 = vector.shape_cast %parallel_loop3A_156 : vector<1x16xf32> to vector<16xf32>
        %parallel_loop3A_158 = vector.shape_cast %broadcast_in_dim3A : vector<16x1xi32> to vector<16xi32>
        %parallel_loop3A_159 = tpu.dynamic_gather %parallel_loop3A_157[%parallel_loop3A_158] in [0] : vector<16xf32>, vector<16xi32> -> vector<16xf32>
        %parallel_loop3A_160 = arith.index_cast %parallel_loop3A_87 : i32 to index
        %parallel_loop3A_161 = arith.constant 48 : index
        %parallel_loop3A_162 = tpu.vector_load %arg12[%parallel_loop3A_160, %parallel_loop3A_161] {strides = array<i32>} : memref<200x64xf32, #tpu.memory_space<vmem>>, vector<1x16xf32>,
        %parallel_loop3A_163 = vector.shape_cast %parallel_loop3A_162 : vector<1x16xf32> to vector<16xf32>
        %parallel_loop3A_164 = arith.mulf %parallel_loop3A_157, %parallel_loop3A_163 : vector<16xf32>
        %parallel_loop3A_165 = arith.index_cast %parallel_loop3A_87 : i32 to index
        %parallel_loop3A_166 = arith.constant 48 : index
        %parallel_loop3A_167 = tpu.vector_load %arg13[%parallel_loop3A_165, %parallel_loop3A_166] {strides = array<i32>} : memref<200x64xf32, #tpu.memory_space<vmem>>, vector<1x16xf32>,
        %parallel_loop3A_168 = vector.shape_cast %parallel_loop3A_167 : vector<1x16xf32> to vector<16xf32>
        %parallel_loop3A_169 = arith.mulf %parallel_loop3A_159, %parallel_loop3A_168 : vector<16xf32>
        %parallel_loop3A_170 = arith.addf %parallel_loop3A_164, %parallel_loop3A_169 : vector<16xf32>
        %parallel_loop3A_171 = arith.index_cast %parallel_loop3A_84 : i32 to index
        %parallel_loop3A_172 = arith.constant 48 : index
        %parallel_loop3A_173 = tpu.vector_load %arg10[%parallel_loop3A_171, %parallel_loop3A_172] {strides = array<i32>} : memref<128x64xf32, #tpu.memory_space<vmem>>, vector<1x16xf32>,
        %parallel_loop3A_174 = vector.shape_cast %parallel_loop3A_173 : vector<1x16xf32> to vector<16xf32>
        %parallel_loop3A_175 = vector.shape_cast %parallel_loop3A_170 : vector<16xf32> to vector<1x16xf32>
        tpu.vector_store %arg10[%parallel_loop3A_171, %parallel_loop3A_172], %parallel_loop3A_175 {strides = array<i32>} : memref<128x64xf32, #tpu.memory_space<vmem>>, vector<1x16xf32>,
      } {sc.loop_unroll_factor = 8 : i64, sc.parallel_access}
      %mul3A_44 = arith.constant 128 : i32
      %mul3A_45 = arith.muli %add3A_27, %mul3A_44 : i32
      %add3A_46 = arith.addi %mul3A_2, %mul3A_45 : i32
      %dma_start3A_47 = arith.constant 0 : i32
      %dma_start3A_48 = tpu.memref_slice %arg6[%add3A_46, %dma_start3A_47] : memref<204800x64xf32, #tpu.memory_space<hbm>> -> memref<128x64xf32, #tpu.memory_space<hbm>>
      %dma_start3A_49 = arith.constant 0 : i32
      %dma_start3A_50 = tpu.memref_slice %arg6[%add3A_46, %dma_start3A_49] : memref<204800x64xf32, #tpu.memory_space<hbm>> -> memref<128x64xf32, #tpu.memory_space<hbm>>
      tpu.enqueue_dma source(%arg10 : memref<128x64xf32, #tpu.memory_space<vmem>>) target(%dma_start3A_50 : memref<128x64xf32, #tpu.memory_space<hbm>>) target_semaphore(%arg16 : memref<!tpu.dma_semaphore, #tpu.memory_space<semaphore_mem>>)
      %mul3A_51 = arith.constant 2 : i32
      %mul3A_52 = arith.muli %mul3A_51, %scan3A_22 : i32
      %add3A_53 = arith.constant 1 : i32
      %add3A_54 = arith.addi %mul3A_52, %add3A_53 : i32
      %lt3A_55 = arith.constant 49 : i32
      %lt3A_56 = arith.cmpi slt, %add3A_54, %lt3A_55 : i32
      %convert_element_type3A_57 = arith.extui %lt3A_56 : i1 to i32
      %cond3A_58 = arith.constant 0 : i32
      %cond3A_59 = arith.cmpi ne, %convert_element_type3A_57, %cond3A_58 : i32
      scf.if %cond3A_59 {
        %add3A_84 = arith.constant 1 : i32
        %add3A_85 = arith.addi %add3A_54, %add3A_84 : i32
        %mul3A_86 = arith.constant 128 : i32
        %mul3A_87 = arith.muli %add3A_85, %mul3A_86 : i32
        %dma_start3A_88 = tpu.memref_slice %arg7[%mul3A_87] : memref<6400xi32, #tpu.memory_space<vmem>> -> memref<128xi32, #tpu.memory_space<vmem>>
        %dma_start3A_89 = arith.constant 0 : i32
        %dma_start3A_90 = arith.constant 0 : i32
        %dma_start3A_91 = tpu.memref_slice %arg2[%dma_start3A_89, %dma_start3A_90] : memref<100000x128xf32, #tpu.memory_space<hbm>> -> memref<100000x128xf32, #tpu.memory_space<hbm>>
        tpu.enqueue_indirect_dma source(%dma_start3A_91 : memref<100000x128xf32, #tpu.memory_space<hbm>>) target(%arg8 : memref<128x128xf32, #tpu.memory_space<vmem>>) offsets(%dma_start3A_88 : memref<128xi32, #tpu.memory_space<vmem>>) semaphore(%arg14 : memref<!tpu.dma_semaphore, #tpu.memory_space<semaphore_mem>>)
      } else {
      }
      %dma_wait3A_60 = arith.constant 0 : i32
      %dma_wait3A_61 = arith.constant 0 : i32
      %dma_wait3A_62 = tpu.memref_slice %arg2[%dma_wait3A_60, %dma_wait3A_61] : memref<100000x128xf32, #tpu.memory_space<hbm>> -> memref<128x128xf32, #tpu.memory_space<hbm>>
      %dma_wait3A_63 = arith.constant 0 : i32
      %dma_wait3A_64 = arith.constant 0 : i32
      %dma_wait3A_65 = tpu.memref_slice %arg2[%dma_wait3A_63, %dma_wait3A_64] : memref<100000x128xf32, #tpu.memory_space<hbm>> -> memref<128x128xf32, #tpu.memory_space<hbm>>
      tpu.wait_dma2 semaphore(%arg15 : memref<!tpu.dma_semaphore, #tpu.memory_space<semaphore_mem>>) src(%dma_wait3A_65 : memref<128x128xf32, #tpu.memory_space<hbm>>) dst(%arg9 : memref<128x128xf32, #tpu.memory_space<vmem>>)
      %ge3A_66 = arith.constant 2 : i32
      %ge3A_67 = arith.cmpi sge, %add3A_54, %ge3A_66 : i32
      %convert_element_type3A_68 = arith.extui %ge3A_67 : i1 to i32
      %cond3A_69 = arith.constant 0 : i32
      %cond3A_70 = arith.cmpi ne, %convert_element_type3A_68, %cond3A_69 : i32
      scf.if %cond3A_70 {
        %dma_wait3A_84 = arith.constant 0 : i32
        %dma_wait3A_85 = tpu.memref_slice %arg6[%mul3A_2, %dma_wait3A_84] : memref<204800x64xf32, #tpu.memory_space<hbm>> -> memref<128x64xf32, #tpu.memory_space<hbm>>
        %dma_wait3A_86 = arith.constant 0 : i32
        %dma_wait3A_87 = tpu.memref_slice %arg6[%mul3A_2, %dma_wait3A_86] : memref<204800x64xf32, #tpu.memory_space<hbm>> -> memref<128x64xf32, #tpu.memory_space<hbm>>
        tpu.wait_dma2 semaphore(%arg17 : memref<!tpu.dma_semaphore, #tpu.memory_space<semaphore_mem>>) src(%arg11 : memref<128x64xf32, #tpu.memory_space<vmem>>) dst(%dma_wait3A_87 : memref<128x64xf32, #tpu.memory_space<hbm>>)
      } else {
      }
      %mul3A_71 = arith.constant 128 : i32
      %mul3A_72 = arith.muli %add3A_54, %mul3A_71 : i32
      %parallel_loop3A_73 = arith.constant 0 : i32
      %parallel_loop3A_74 = arith.constant 128 : i32
      %parallel_loop3A_75 = arith.constant 1 : i32
      scf.for %parallel_loop3A_84 = %parallel_loop3A_73 to %parallel_loop3A_74 step %parallel_loop3A_75  : i32 {
        %parallel_loop3A_85 = arith.addi %mul3A_72, %parallel_loop3A_84 : i32
        %parallel_loop3A_86 = arith.constant 200 : i32
        %parallel_loop3A_87 = arith.remsi %parallel_loop3A_85, %parallel_loop3A_86 : i32
        %parallel_loop3A_88 = arith.index_cast %parallel_loop3A_84 : i32 to index
        %parallel_loop3A_89 = arith.constant 0 : index
        %parallel_loop3A_90 = tpu.vector_load %arg9[%parallel_loop3A_88, %parallel_loop3A_89] {strides = array<i32>} : memref<128x128xf32, #tpu.memory_space<vmem>>, vector<1x16xf32>,
        %parallel_loop3A_91 = vector.shape_cast %parallel_loop3A_90 : vector<1x16xf32> to vector<16xf32>
        %parallel_loop3A_92 = vector.shape_cast %broadcast_in_dim3A : vector<16x1xi32> to vector<16xi32>
        %parallel_loop3A_93 = tpu.dynamic_gather %parallel_loop3A_91[%parallel_loop3A_92] in [0] : vector<16xf32>, vector<16xi32> -> vector<16xf32>
        %parallel_loop3A_94 = arith.index_cast %parallel_loop3A_87 : i32 to index
        %parallel_loop3A_95 = arith.constant 0 : index
        %parallel_loop3A_96 = tpu.vector_load %arg12[%parallel_loop3A_94, %parallel_loop3A_95] {strides = array<i32>} : memref<200x64xf32, #tpu.memory_space<vmem>>, vector<1x16xf32>,
        %parallel_loop3A_97 = vector.shape_cast %parallel_loop3A_96 : vector<1x16xf32> to vector<16xf32>
        %parallel_loop3A_98 = arith.mulf %parallel_loop3A_91, %parallel_loop3A_97 : vector<16xf32>
        %parallel_loop3A_99 = arith.index_cast %parallel_loop3A_87 : i32 to index
        %parallel_loop3A_100 = arith.constant 0 : index
        %parallel_loop3A_101 = tpu.vector_load %arg13[%parallel_loop3A_99, %parallel_loop3A_100] {strides = array<i32>} : memref<200x64xf32, #tpu.memory_space<vmem>>, vector<1x16xf32>,
        %parallel_loop3A_102 = vector.shape_cast %parallel_loop3A_101 : vector<1x16xf32> to vector<16xf32>
        %parallel_loop3A_103 = arith.mulf %parallel_loop3A_93, %parallel_loop3A_102 : vector<16xf32>
        %parallel_loop3A_104 = arith.addf %parallel_loop3A_98, %parallel_loop3A_103 : vector<16xf32>
        %parallel_loop3A_105 = arith.index_cast %parallel_loop3A_84 : i32 to index
        %parallel_loop3A_106 = arith.constant 0 : index
        %parallel_loop3A_107 = tpu.vector_load %arg11[%parallel_loop3A_105, %parallel_loop3A_106] {strides = array<i32>} : memref<128x64xf32, #tpu.memory_space<vmem>>, vector<1x16xf32>,
        %parallel_loop3A_108 = vector.shape_cast %parallel_loop3A_107 : vector<1x16xf32> to vector<16xf32>
        %parallel_loop3A_109 = vector.shape_cast %parallel_loop3A_104 : vector<16xf32> to vector<1x16xf32>
        tpu.vector_store %arg11[%parallel_loop3A_105, %parallel_loop3A_106], %parallel_loop3A_109 {strides = array<i32>} : memref<128x64xf32, #tpu.memory_space<vmem>>, vector<1x16xf32>,
        %parallel_loop3A_110 = arith.index_cast %parallel_loop3A_84 : i32 to index
        %parallel_loop3A_111 = arith.constant 16 : index
        %parallel_loop3A_112 = tpu.vector_load %arg9[%parallel_loop3A_110, %parallel_loop3A_111] {strides = array<i32>} : memref<128x128xf32, #tpu.memory_space<vmem>>, vector<1x16xf32>,
        %parallel_loop3A_113 = vector.shape_cast %parallel_loop3A_112 : vector<1x16xf32> to vector<16xf32>
        %parallel_loop3A_114 = vector.shape_cast %broadcast_in_dim3A : vector<16x1xi32> to vector<16xi32>
        %parallel_loop3A_115 = tpu.dynamic_gather %parallel_loop3A_113[%parallel_loop3A_114] in [0] : vector<16xf32>, vector<16xi32> -> vector<16xf32>
        %parallel_loop3A_116 = arith.index_cast %parallel_loop3A_87 : i32 to index
        %parallel_loop3A_117 = arith.constant 16 : index
        %parallel_loop3A_118 = tpu.vector_load %arg12[%parallel_loop3A_116, %parallel_loop3A_117] {strides = array<i32>} : memref<200x64xf32, #tpu.memory_space<vmem>>, vector<1x16xf32>,
        %parallel_loop3A_119 = vector.shape_cast %parallel_loop3A_118 : vector<1x16xf32> to vector<16xf32>
        %parallel_loop3A_120 = arith.mulf %parallel_loop3A_113, %parallel_loop3A_119 : vector<16xf32>
        %parallel_loop3A_121 = arith.index_cast %parallel_loop3A_87 : i32 to index
        %parallel_loop3A_122 = arith.constant 16 : index
        %parallel_loop3A_123 = tpu.vector_load %arg13[%parallel_loop3A_121, %parallel_loop3A_122] {strides = array<i32>} : memref<200x64xf32, #tpu.memory_space<vmem>>, vector<1x16xf32>,
        %parallel_loop3A_124 = vector.shape_cast %parallel_loop3A_123 : vector<1x16xf32> to vector<16xf32>
        %parallel_loop3A_125 = arith.mulf %parallel_loop3A_115, %parallel_loop3A_124 : vector<16xf32>
        %parallel_loop3A_126 = arith.addf %parallel_loop3A_120, %parallel_loop3A_125 : vector<16xf32>
        %parallel_loop3A_127 = arith.index_cast %parallel_loop3A_84 : i32 to index
        %parallel_loop3A_128 = arith.constant 16 : index
        %parallel_loop3A_129 = tpu.vector_load %arg11[%parallel_loop3A_127, %parallel_loop3A_128] {strides = array<i32>} : memref<128x64xf32, #tpu.memory_space<vmem>>, vector<1x16xf32>,
        %parallel_loop3A_130 = vector.shape_cast %parallel_loop3A_129 : vector<1x16xf32> to vector<16xf32>
        %parallel_loop3A_131 = vector.shape_cast %parallel_loop3A_126 : vector<16xf32> to vector<1x16xf32>
        tpu.vector_store %arg11[%parallel_loop3A_127, %parallel_loop3A_128], %parallel_loop3A_131 {strides = array<i32>} : memref<128x64xf32, #tpu.memory_space<vmem>>, vector<1x16xf32>,
        %parallel_loop3A_132 = arith.index_cast %parallel_loop3A_84 : i32 to index
        %parallel_loop3A_133 = arith.constant 32 : index
        %parallel_loop3A_134 = tpu.vector_load %arg9[%parallel_loop3A_132, %parallel_loop3A_133] {strides = array<i32>} : memref<128x128xf32, #tpu.memory_space<vmem>>, vector<1x16xf32>,
        %parallel_loop3A_135 = vector.shape_cast %parallel_loop3A_134 : vector<1x16xf32> to vector<16xf32>
        %parallel_loop3A_136 = vector.shape_cast %broadcast_in_dim3A : vector<16x1xi32> to vector<16xi32>
        %parallel_loop3A_137 = tpu.dynamic_gather %parallel_loop3A_135[%parallel_loop3A_136] in [0] : vector<16xf32>, vector<16xi32> -> vector<16xf32>
        %parallel_loop3A_138 = arith.index_cast %parallel_loop3A_87 : i32 to index
        %parallel_loop3A_139 = arith.constant 32 : index
        %parallel_loop3A_140 = tpu.vector_load %arg12[%parallel_loop3A_138, %parallel_loop3A_139] {strides = array<i32>} : memref<200x64xf32, #tpu.memory_space<vmem>>, vector<1x16xf32>,
        %parallel_loop3A_141 = vector.shape_cast %parallel_loop3A_140 : vector<1x16xf32> to vector<16xf32>
        %parallel_loop3A_142 = arith.mulf %parallel_loop3A_135, %parallel_loop3A_141 : vector<16xf32>
        %parallel_loop3A_143 = arith.index_cast %parallel_loop3A_87 : i32 to index
        %parallel_loop3A_144 = arith.constant 32 : index
        %parallel_loop3A_145 = tpu.vector_load %arg13[%parallel_loop3A_143, %parallel_loop3A_144] {strides = array<i32>} : memref<200x64xf32, #tpu.memory_space<vmem>>, vector<1x16xf32>,
        %parallel_loop3A_146 = vector.shape_cast %parallel_loop3A_145 : vector<1x16xf32> to vector<16xf32>
        %parallel_loop3A_147 = arith.mulf %parallel_loop3A_137, %parallel_loop3A_146 : vector<16xf32>
        %parallel_loop3A_148 = arith.addf %parallel_loop3A_142, %parallel_loop3A_147 : vector<16xf32>
        %parallel_loop3A_149 = arith.index_cast %parallel_loop3A_84 : i32 to index
        %parallel_loop3A_150 = arith.constant 32 : index
        %parallel_loop3A_151 = tpu.vector_load %arg11[%parallel_loop3A_149, %parallel_loop3A_150] {strides = array<i32>} : memref<128x64xf32, #tpu.memory_space<vmem>>, vector<1x16xf32>,
        %parallel_loop3A_152 = vector.shape_cast %parallel_loop3A_151 : vector<1x16xf32> to vector<16xf32>
        %parallel_loop3A_153 = vector.shape_cast %parallel_loop3A_148 : vector<16xf32> to vector<1x16xf32>
        tpu.vector_store %arg11[%parallel_loop3A_149, %parallel_loop3A_150], %parallel_loop3A_153 {strides = array<i32>} : memref<128x64xf32, #tpu.memory_space<vmem>>, vector<1x16xf32>,
        %parallel_loop3A_154 = arith.index_cast %parallel_loop3A_84 : i32 to index
        %parallel_loop3A_155 = arith.constant 48 : index
        %parallel_loop3A_156 = tpu.vector_load %arg9[%parallel_loop3A_154, %parallel_loop3A_155] {strides = array<i32>} : memref<128x128xf32, #tpu.memory_space<vmem>>, vector<1x16xf32>,
        %parallel_loop3A_157 = vector.shape_cast %parallel_loop3A_156 : vector<1x16xf32> to vector<16xf32>
        %parallel_loop3A_158 = vector.shape_cast %broadcast_in_dim3A : vector<16x1xi32> to vector<16xi32>
        %parallel_loop3A_159 = tpu.dynamic_gather %parallel_loop3A_157[%parallel_loop3A_158] in [0] : vector<16xf32>, vector<16xi32> -> vector<16xf32>
        %parallel_loop3A_160 = arith.index_cast %parallel_loop3A_87 : i32 to index
        %parallel_loop3A_161 = arith.constant 48 : index
        %parallel_loop3A_162 = tpu.vector_load %arg12[%parallel_loop3A_160, %parallel_loop3A_161] {strides = array<i32>} : memref<200x64xf32, #tpu.memory_space<vmem>>, vector<1x16xf32>,
        %parallel_loop3A_163 = vector.shape_cast %parallel_loop3A_162 : vector<1x16xf32> to vector<16xf32>
        %parallel_loop3A_164 = arith.mulf %parallel_loop3A_157, %parallel_loop3A_163 : vector<16xf32>
        %parallel_loop3A_165 = arith.index_cast %parallel_loop3A_87 : i32 to index
        %parallel_loop3A_166 = arith.constant 48 : index
        %parallel_loop3A_167 = tpu.vector_load %arg13[%parallel_loop3A_165, %parallel_loop3A_166] {strides = array<i32>} : memref<200x64xf32, #tpu.memory_space<vmem>>, vector<1x16xf32>,
        %parallel_loop3A_168 = vector.shape_cast %parallel_loop3A_167 : vector<1x16xf32> to vector<16xf32>
        %parallel_loop3A_169 = arith.mulf %parallel_loop3A_159, %parallel_loop3A_168 : vector<16xf32>
        %parallel_loop3A_170 = arith.addf %parallel_loop3A_164, %parallel_loop3A_169 : vector<16xf32>
        %parallel_loop3A_171 = arith.index_cast %parallel_loop3A_84 : i32 to index
        %parallel_loop3A_172 = arith.constant 48 : index
        %parallel_loop3A_173 = tpu.vector_load %arg11[%parallel_loop3A_171, %parallel_loop3A_172] {strides = array<i32>} : memref<128x64xf32, #tpu.memory_space<vmem>>, vector<1x16xf32>,
        %parallel_loop3A_174 = vector.shape_cast %parallel_loop3A_173 : vector<1x16xf32> to vector<16xf32>
        %parallel_loop3A_175 = vector.shape_cast %parallel_loop3A_170 : vector<16xf32> to vector<1x16xf32>
        tpu.vector_store %arg11[%parallel_loop3A_171, %parallel_loop3A_172], %parallel_loop3A_175 {strides = array<i32>} : memref<128x64xf32, #tpu.memory_space<vmem>>, vector<1x16xf32>,
      } {sc.loop_unroll_factor = 8 : i64, sc.parallel_access}
      %mul3A_76 = arith.constant 128 : i32
      %mul3A_77 = arith.muli %add3A_54, %mul3A_76 : i32
      %add3A_78 = arith.addi %mul3A_2, %mul3A_77 : i32
      %dma_start3A_79 = arith.constant 0 : i32
      %dma_start3A_80 = tpu.memref_slice %arg6[%add3A_78, %dma_start3A_79] : memref<204800x64xf32, #tpu.memory_space<hbm>> -> memref<128x64xf32, #tpu.memory_space<hbm>>
      %dma_start3A_81 = arith.constant 0 : i32
      %dma_start3A_82 = tpu.memref_slice %arg6[%add3A_78, %dma_start3A_81] : memref<204800x64xf32, #tpu.memory_space<hbm>> -> memref<128x64xf32, #tpu.memory_space<hbm>>
      tpu.enqueue_dma source(%arg11 : memref<128x64xf32, #tpu.memory_space<vmem>>) target(%dma_start3A_82 : memref<128x64xf32, #tpu.memory_space<hbm>>) target_semaphore(%arg17 : memref<!tpu.dma_semaphore, #tpu.memory_space<semaphore_mem>>)
      %scan3A_83 = arith.constant 0 : i32
      scf.yield %scan3A_83 : i32
    }
    %scan3A_14 = arith.constant 25 : i32
    %dma_wait3A = arith.constant 0 : i32
    %dma_wait3A_15 = tpu.memref_slice %arg6[%mul3A_2, %dma_wait3A] : memref<204800x64xf32, #tpu.memory_space<hbm>> -> memref<128x64xf32, #tpu.memory_space<hbm>>
    %dma_wait3A_16 = arith.constant 0 : i32
    %dma_wait3A_17 = tpu.memref_slice %arg6[%mul3A_2, %dma_wait3A_16] : memref<204800x64xf32, #tpu.memory_space<hbm>> -> memref<128x64xf32, #tpu.memory_space<hbm>>
    tpu.wait_dma2 semaphore(%arg16 : memref<!tpu.dma_semaphore, #tpu.memory_space<semaphore_mem>>) src(%arg10 : memref<128x64xf32, #tpu.memory_space<vmem>>) dst(%dma_wait3A_17 : memref<128x64xf32, #tpu.memory_space<hbm>>)
    %dma_wait3A_18 = arith.constant 0 : i32
    %dma_wait3A_19 = tpu.memref_slice %arg6[%mul3A_2, %dma_wait3A_18] : memref<204800x64xf32, #tpu.memory_space<hbm>> -> memref<128x64xf32, #tpu.memory_space<hbm>>
    %dma_wait3A_20 = arith.constant 0 : i32
    %dma_wait3A_21 = tpu.memref_slice %arg6[%mul3A_2, %dma_wait3A_20] : memref<204800x64xf32, #tpu.memory_space<hbm>> -> memref<128x64xf32, #tpu.memory_space<hbm>>
    tpu.wait_dma2 semaphore(%arg17 : memref<!tpu.dma_semaphore, #tpu.memory_space<semaphore_mem>>) src(%arg11 : memref<128x64xf32, #tpu.memory_space<vmem>>) dst(%dma_wait3A_21 : memref<128x64xf32, #tpu.memory_space<hbm>>)
    return
  }
}

</mosaic_0001>

<sc_bundles>
// kernel: rope_embed_sc.3.cloned.1.call-start
scs
__scs_entry_jumppad:
0x0: {  	(pc) =	sbr.rel $0x88, $3  }
0x1: {  	(tag) =	ssettag $0x0;
	lr =	simm.s32 $0x1  }
0x2: {  	[smem:$0x3F9D] =	sst lr;
	_ =	strace $0xD0000000  }
0x3: {  	_ = 	snop  }
0x4: {  	_ = 	snop  }
0x5: {  	_ = 	snop  }
0x6: {  	_ = 	snop  }
0x7: {  	_ = 	snop  }
__scs_overlays_trampoline_lowered:
0x8: {  	[smem:$0x3FAC] =	sst s0  }
0x9: {  	[smem:$0x3FAD] =	sst s1  }
0xa: {  	[smem:$0x3FAE] =	sst s2  }
0xb: {  	[smem:$0x3FAF] =	sst s3  }
0xc: {  	[smem:$0x3FB0] =	sst s4  }
0xd: {  	[smem:$0x3FB1] =	sst s5  }
0xe: {  	[smem:$0x3FB2] =	sst s6  }
0xf: {  	[smem:$0x3FB3] =	sst s7  }
0x10: {  	[smem:$0x3FB4] =	sst s8  }
0x11: {  	[smem:$0x3FB5] =	sst s9;
	s0 =	simm.s32 @!p0 $0x0  }
0x12: {  	s1 =	sld [smem:$0x3F9B];
	s0 =	simm.s32 @p0 $0x1  }
0x13: {  	[smem:$0x3FB6] =	sst s0;
	s0 =	simm.s32 @!p1 $0x0  }
0x14: {  	s2 =	sld [smem:$0x3F9A];
	s0 =	simm.s32 @p1 $0x1  }
0x15: {  	[smem:$0x3FB7] =	sst s0;
	s0 =	simm.s32 @!p2 $0x0  }
0x16: {  	s3 =	sld [smem:$0x3FDB];
	s0 =	simm.s32 @p2 $0x1  }
0x17: {  	s4 =	simm.s32 $0x1BF5;
	[smem:$0x3FB9] =	sst s0  }
0x18: {  	s0 =	sld [smem:$0x3F9C];
	_ =	swait.ge [sflag:s4], $0x0  }
0x19: {  	s7 =	sld [smem:$0x3F9D]  }
0x1a: {  	s8 =	sadd.s32 $0xFFFFE003, lr  }
0x1b: {  	s9 =	sadd.s32 $0xFFFFFEF7, lr;
	s5 =	simm.s32 $0xFFFFFFFF;
	p2 =	slt.u32 s8, $0xFFFFF086  }
0x1c: {  	p1 =	slt.u32 s9, $0xF7A;
	s5 =	simm.s32 @!p2 $0x0  }
0x1d: {  	s5 =	simm.s32 @p1 $0x1;
	p0 =	seq.s32 s7, s2  }
0x1e: {  	s7 =	smul.u32 @!p0 $0xF7A, s2;
	p2 =	seq.s32 @!p0 s5, $0x0  }
0x1f: {  	s9 =	smul.u32 $0xF7A, s1;
	s8 =	simm.s32 @!p0 $0x1BF5;
	p2 =	por !p2, p0  }
0x20: {  	[sflag:s8] =	ssyncset.s32 @!p0 $0xFFFFF086;
	s6 =	sadd.s32 @!p0 s3, s7;
	s7 =	simm.s32 @!p0 $0x108  }
0x21: {  	s3 =	sadd.s32 s3, s9;
	s6 =	sadd.s32 @!p0 $0x88, s6;
	s7 =	simm.s32 @p2 $0x1082  }
0x22: {  	[simem:s7], [sflag:s8] =	dma.local @!p0 [hbm:s6], $0xF7A  }
0x23: {  	s9 =	sor.u32 $0xD0000000, s2;
	s6 =	simm.s32 $0x108;
	_ =	swait.ge @!p0 [sflag:s8], $0x0  }
0x24: {  	s3 =	sadd.s32 $0x88, s3;
	s6 =	simm.s32 @!p1 $0x1082;
	[sflag:s4] =	ssyncset.s32 $0xFFFFF086  }
0x25: {  	[simem:s6], [sflag:s4] =	dma.local [hbm:s3], $0xF7A  }
0x26: {  	[smem:$0x3F9D] =	sst s1;
	(tag) =	ssettag s2;
	_ =	strace s9  }
0x27: {  	s1 =	sld [smem:$0x3FAD]  }
0x28: {  	s2 =	sld [smem:$0x3FAE]  }
0x29: {  	s4 =	sld [smem:$0x3FB0]  }
0x2a: {  	p0 =	seq.s32 s5, $0x0;
	s5 =	sld [smem:$0x3FB1]  }
0x2b: {  	s6 =	sld [smem:$0x3FB2]  }
0x2c: {  	s7 =	sld [smem:$0x3FB3]  }
0x2d: {  	s3 =	simm.s32 $0x108;
	s8 =	sld [smem:$0x3FB4]  }
0x2e: {  	s3 =	simm.s32 @!p0 $0x1082;
	s9 =	sld [smem:$0x3FB5]  }
0x2f: {  	lr =	sadd.s32 s0, s3;
	s0 =	sld [smem:$0x3FAC]  }
0x30: {  	s3 =	sld [smem:$0x3FAF]  }
0x31: {  	[smem:$0x3FB8] =	sst s10  }
0x32: {  	s10 =	sld [smem:$0x3FB6];
	_ =	sdelay $0x3  }
0x33: {  	p0 =	seq.s32 s10, $0x1;
	s10 =	sld [smem:$0x3FB8];
	_ =	sdelay $0x3  }
0x34: {  	[smem:$0x3FB8] =	sst s10  }
0x35: {  	s10 =	sld [smem:$0x3FB7];
	_ =	sdelay $0x3  }
0x36: {  	p1 =	seq.s32 s10, $0x1;
	s10 =	sld [smem:$0x3FB8];
	_ =	sdelay $0x3  }
0x37: {  	[smem:$0x3FB8] =	sst s10  }
0x38: {  	s10 =	sld [smem:$0x3FB9]  }
0x39: {  	_ = 	snop;
	(pc) =	sbr.ind lr, $3  }
0x3a: {  	_ = 	snop  }
0x3b: {  	_ = 	snop  }
0x3c: {  	p2 =	seq.s32 s10, $0x1;
	s10 =	sld [smem:$0x3FB8]  }
0x3d: {  	_ =	shalt  }
0x3e: {  	_ =	shalt  }
0x3f: {  	_ =	shalt  }
0x40: {  	_ =	shalt  }
0x41: {  	_ =	shalt  }
0x42: {  	_ =	shalt  }
0x43: {  	_ =	shalt  }
0x44: {  	_ =	shalt  }
0x45: {  	_ =	shalt  }
0x46: {  	_ =	shalt  }
0x47: {  	_ =	shalt  }
0x48: {  	_ =	shalt  }
0x49: {  	_ =	shalt  }
0x4a: {  	_ =	shalt  }
0x4b: {  	_ =	shalt  }
0x4c: {  	_ =	shalt  }
0x4d: {  	_ =	shalt  }
0x4e: {  	_ =	shalt  }
0x4f: {  	_ =	shalt  }
0x50: {  	_ =	shalt  }
0x51: {  	_ =	shalt  }
0x52: {  	_ =	shalt  }
0x53: {  	_ =	shalt  }
0x54: {  	_ =	shalt  }
0x55: {  	_ =	shalt  }
0x56: {  	_ =	shalt  }
0x57: {  	_ =	shalt  }
0x58: {  	_ =	shalt  }
0x59: {  	_ =	shalt  }
0x5a: {  	_ =	shalt  }
0x5b: {  	_ =	shalt  }
0x5c: {  	_ =	shalt  }
0x5d: {  	_ =	shalt  }
0x5e: {  	_ =	shalt  }
0x5f: {  	_ =	shalt  }
0x60: {  	_ =	shalt  }
0x61: {  	_ =	shalt  }
0x62: {  	_ =	shalt  }
0x63: {  	_ =	shalt  }
0x64: {  	_ =	shalt  }
0x65: {  	_ =	shalt  }
0x66: {  	_ =	shalt  }
0x67: {  	_ =	shalt  }
0x68: {  	_ =	shalt  }
0x69: {  	_ =	shalt  }
0x6a: {  	_ =	shalt  }
0x6b: {  	_ =	shalt  }
0x6c: {  	_ =	shalt  }
0x6d: {  	_ =	shalt  }
0x6e: {  	_ =	shalt  }
0x6f: {  	_ =	shalt  }
0x70: {  	_ =	shalt  }
0x71: {  	_ =	shalt  }
0x72: {  	_ =	shalt  }
0x73: {  	_ =	shalt  }
0x74: {  	_ =	shalt  }
0x75: {  	_ =	shalt  }
0x76: {  	_ =	shalt  }
0x77: {  	_ =	shalt  }
0x78: {  	_ =	shalt  }
0x79: {  	_ =	shalt  }
0x7a: {  	_ =	shalt  }
0x7b: {  	_ =	shalt  }
0x7c: {  	_ =	shalt  }
0x7d: {  	_ =	shalt  }
0x7e: {  	_ =	shalt  }
0x7f: {  	_ =	shalt  }
0x80: {  	_ =	shalt  }
0x81: {  	_ =	shalt  }
0x82: {  	_ =	shalt  }
0x83: {  	_ =	shalt  }
0x84: {  	_ =	shalt  }
0x85: {  	_ =	shalt  }
0x86: {  	_ =	shalt  }
0x87: {  	_ =	shalt  }
.Lfunc_end0:
.L_simem_size_0:
called_computation_lowered:
.L_overlay_start_0:
0x88: {  	s2 =	sld [smem:$0x3FD9]  }
0x89: {  	s3 =	sld [smem:$0x3FFE];
	_ =	sdelay $0x1  }
0x8a: {  	s1 =	srdreg.scid  }
0x8b: {  	s0 =	sand.u32 $0x1, s1  }
0x8c: {  	s17 =	sshll.u32 s0, $0xA;
	s2 =	sadd.s32 s3, s2  }
0x8d: {  	s2 =	sadd.s32 s2, s17  }
0x8e: {  	[smem:$0x3FC4] =	sst s2  }
0x8f: {  	_ = 	snop  }
0x90: {  	s2 =	sld [smem:$0x3FC9]  }
0x91: {  	s18 =	sld [smem:$0x3FC8]  }
0x92: {  	s4 =	sld [smem:$0x3FD0];
	(tm) =	ssettm $0x1  }
0x93: {  	s5 =	sld [smem:$0x3FFB];
	_ =	sdelay $0x3  }
0x94: {  	_ =	strace s5  }
0x95: {  	s5 =	sld [smem:$0x3FFC];
	_ =	sdelay $0x3  }
0x96: {  	_ =	strace s5  }
0x97: {  	s5 =	sld [smem:$0x3FFD];
	_ =	sdelay $0x3  }
0x98: {  	_ =	strace s5  }
0x99: {  	_ =	strace $0x8FFFFFFF  }
0x9a: {  	s19 =	sld [smem:$0x3FDB];
	_ =	sdelay $0x1  }
0x9b: {  	s6 =	simm.s32 $_scs_section_size  }
0x9c: {  	s7 =	simm.s32 $_size__tile_overlayer_lowered;
	s8 =	simm.s32 $_tile_overlayer_lowered  }
0x9d: {  	s22 =	simm.s32 $0x1BFF;
	s21 =	sshll.u32 s8, $0x1;
	s5 =	sadd.s32 s6, s19  }
0x9e: {  	s9 =	simm.s32 $0x0;
	s20 =	sshll.u32 s7, $0x1;
	s7 =	sadd.s32 s21, s5  }
0x9f: {  	[timem:s9], [sflag:s22] =	dma.local [hbm:s7], s20  }
0xa0: {  	_ =	swait.ge [sflag:s22], s20  }
0xa1: {  	s6 =	ssub.s32 $0x0, s20;
	[sflag:s22] =	ssyncset.done $0x0  }
0xa2: {  	[sflag:s22] =	ssyncadd.s32 s6;
	_ =	sdelay $0x1  }
0xa3: {  	s23 =	simm.s32 $0x1B8B  }
0xa4: {  	_ =	swait.ge [sflag:s23], $0x1  }
0xa5: {  	[sflag:s23] =	ssyncset.done $0x0  }
0xa6: {  	s25 =	simm.s32 $0x1B8E;
	s24 =	sld [smem:$0x3FFE];
	[sflag:s23] =	ssyncadd.s32 $0xFFFFFFFF  }
0xa7: {  	s26 =	simm.s32 $execute0_lowered;
	[smem:$0x3FD2] =	sst s25  }
0xa8: {  	s7 =	sshll.u32 s26, $0x1;
	_ =	strace $0x80000046;
	[dreg:$0x1] =	wrdreg $0xFFFFFFFF  }
0xa9: {  	s28 =	simm.s32 $_size_execute0_lowered;
	s5 =	sadd.s32 s5, s7;
	[dreg:$0x0] =	wrdreg $0x0  }
0xaa: {  	s7 =	sshll.u32 s28, $0x1;
	[dreg:$0x2] =	wrdreg s5  }
0xab: {  	[dreg:$0x3] =	wrdreg s7  }
0xac: {  	[dreg:$0x4] =	wrdreg $0xC0  }
0xad: {  	_ =	task [dreg:s9], $0x5FFFF  }
0xae: {  	[dreg:$0x1] =	wrdreg $0xFFFFFFFF  }
0xaf: {  	[dreg:$0x0] =	wrdreg $0x60  }
0xb0: {  	[dreg:$0x2] =	wrdreg s2  }
0xb1: {  	[dreg:$0x3] =	wrdreg s18  }
0xb2: {  	[dreg:$0x4] =	wrdreg s4  }
0xb3: {  	[dreg:$0x5] =	wrdreg s24  }
0xb4: {  	[dreg:$0x6] =	wrdreg $0x9  }
0xb5: {  	_ =	task.clear_ibuf [dreg:s9], $0x7FFFF;
	_ =	strace $0x90000046  }
0xb6: {  	s29 =	simm.s32 $0x9;
	_ =	strace $0x80000048  }
0xb7: {  	_ =	swait.ge [sflag:s29], $0x1  }
0xb8: {  	[sflag:s29] =	ssyncadd.s32 $0xFFFFFFFF  }
0xb9: {  	_ =	strace $0x90000048  }
0xba: {  	_ =	sfence  }
0xbb: {  	s30 =	sld [smem:$0x0];
	_ =	sdelay $0x2  }
0xbc: {  	s31 =	sshll.u32 s1, $0xD;
	s1 =	sshrl.u32 s1, $0x2  }
0xbd: {  	s3 =	sand.u32 $0x4000, s31;
	s1 =	sadd.s32 s1, s30  }
0xbe: {  	s0 =	sor.u32 s3, s0;
	s1 =	sshll.u32 s1, $0x11  }
0xbf: {  	s0 =	sor.u32 s1, s0  }
0xc0: {  	s0 =	sadd.s32 $0x8F2B, s0  }
0xc1: {  	[sflag:s0] =	ssyncadd.remote.s32 $0x1  }
0xc2: {  	_ =	sfence.sel $0xFFFF  }
0xc3: {  	[dreg:$0x0] =	wrdreg $0xFFFFFFFF;
	(pc) =	sbr.abs _section_cstart, $3  }
0xc4: {  	[dreg:$0x1] =	wrdreg $0xFFFFFFFF  }
0xc5: {  	_ =	task.clear_ibuf [dreg:s9], $0x2FFFF;
	_ =	strace $0x9FFFFFFF  }
0xc6: {  	(tm) =	ssettm $0x7FFFFFFF  }
0xc7: {  	_ =	shalt  }
tec
execute0_lowered:
.L_overlay_start_1:
0x0: {  	(tag) =	ssettag $0x1  }
0x1: {  	s1 =	rddreg [dreg:$0x0]  }
0x2: {  	s0 =	rddreg [dreg:$0x1]  }
0x3: {  	s2 =	srdreg.scid;
	s4 =	stileid.u32  }
0x4: {  	s3 =	rddreg [dreg:$0x3];
	s10 =	simm.s32 $0x5;
	s12 =	simm.s32 $0x80  }
0x5: {  	v0 =	vimm.s32 $0xEFCDAB89;
	v1 =	vimm.s32 $0x67452301;
	s13 =	simm.s32 $0x5900;
	s14 =	simm.s32 $0x1;
	s15 =	simm.s32 $0x9900  }
0x6: {  	s16 =	simm.s32 $0x2;
	s2 =	sand.u32 $0x1, s2;
	s5 =	sshll.u32 s4, $0x1;
	v0 =	vunpack.c.l.s4.s8 v0;
	v1 =	vunpack.c.l.s4.s8 v1  }
0x7: {  	s4 =	simm.s32 $0x0;
	s5 =	sor.u32 s2, s5;
	s2 =	ssub.s32 $0x2, s2  }
0x8: {  	[smem:$0x7FF] =	sst s4;
	s5 =	smul.u32 $0x1900, s5;
	s30 =	sshrl.u32 s2, $0x1;
	v0 =	vunpack.c.0.s8.s32 v0;
	v1 =	vunpack.c.0.s8.s32 v1  }
0x9: {  	s6 =	sadd.s32 $0x400, s3;
	_ =	strace $0x80000047;
	s2 =	ssub.s32 s2, s30  }
0xa: {  	[dreg:$0x5] =	wrdreg s6;
	s8 =	sshrl.u32 s5, $0x3;
	s31 =	smax.u32 s2, $0x1;
	v0 =	vcombine.low v1, v0  }
0xb: {  	s17 =	simm.s32 $0xD900;
	s0 =	sadd.s32 s0, s8;
	[dreg:$0x7] =	wrdreg s31  }
0xc: {  	s20 =	simm.s32 $0x0;
	s7 =	sadd.s32 $0x1200, s3;
	[dreg:$0x6] =	wrdreg s0;
	v0 =	vand.u32 $0xF, v0  }
.LBB2_1:
0xd: {  	s0 =	rddreg [dreg:$0x6]  }
0xe: {  	[tilespmem:s4], [sflag:$0x5] =	stream.linear.gather [hbm4b:s0+s4], $0x1900, $0x38;
	[tilespmem:$0x1E100] =	vst v63  }
0xf: {  	_ =	swait.ge [sflag:s10], $0x1900  }
0x10: {  	[sflag:s10] =	ssyncset.done $0x0  }
0x11: {  	[sflag:s10] =	ssyncadd.s32 $0xFFFFE700  }
0x12: {  	s9 =	simm.s32 $0x11900;
	s29 =	rddreg [dreg:$0x2]  }
0x13: {  	[tilespmem:s9], [sflag:$0x5] =	stream.linear.gather [hbm4b:s29+s4], $0x6400, $0x38;
	[tilespmem:$0x1E100] =	vst v63  }
0x14: {  	_ =	swait.ge [sflag:s10], $0x6400  }
0x15: {  	[sflag:s10] =	ssyncset.done $0x0  }
0x16: {  	s18 =	simm.s32 $0x17D00;
	s30 =	rddreg [dreg:$0x5];
	[sflag:s10] =	ssyncadd.s32 $0xFFFF9C00  }
0x17: {  	[tilespmem:s18], [sflag:$0x5] =	stream.linear.gather [hbm4b:s30+s4], $0x6400, $0x38;
	[tilespmem:$0x1E100] =	vst v63  }
0x18: {  	s31 =	simm.s32 $0x1900;
	s23 =	simm.s32 $0x15900;
	_ =	swait.ge [sflag:s10], $0x6400  }
0x19: {  	s24 =	simm.s32 $0x1C0B0;
	s25 =	simm.s32 $0x80;
	[sflag:s10] =	ssyncset.done $0x0  }
0x1a: {  	s26 =	simm.s32 $0x0;
	s28 =	simm.s32 $0x0;
	[sflag:s10] =	ssyncadd.s32 $0xFFFF9C00  }
0x1b: {  	[tilespmem:s31], [sflag:$0x1] =	stream.indirect.gather [hbm4b:s1+s12], $0x80, s4, s12, $0xb8;
	[tilespmem:$0x1E100] =	vst v63  }
.LBB2_2:
0x1c: {  	s30 =	sshll.u32 s28, $0x8  }
0x1d: {  	s29 =	sand.u32 $0x3FFFFF00, s30  }
0x1e: {  	s0 =	sor.u32 $0x80, s29  }
0x1f: {  	[tilespmem:s13], [sflag:$0x2] =	stream.indirect.gather [hbm4b:s1+s12], $0x80, s0, s12, $0xb8;
	[tilespmem:$0x1E100] =	vst v63  }
0x20: {  	s22 =	smulhi.u32 $0x51EB851F, s26;
	_ =	swait.ge [sflag:s14], $0x4000  }
0x21: {  	p0 =	seq.s32 s28, $0x0;
	[sflag:s14] =	ssyncset.done $0x0  }
0x22: {  	s2 =	simm.s32 @!p0 $0x3;
	s0 =	sshrl.u32 s22, $0x6;
	[sflag:s14] =	ssyncadd.s32 $0xFFFFC000  }
0x23: {  	s0 =	smul.u32 $0xFFFE7000, s0;
	_ =	swait.ge @!p0 [sflag:s2], $0x4000  }
0x24: {  	[sflag:s2] =	ssyncset.done @!p0 $0x0  }
0x25: {  	s3 =	sshra.s32 s0, $0x2;
	[sflag:s2] =	ssyncadd.s32 @!p0 $0xFFFFC000;
	s2 =	simm.s32 $0x1B00  }
0x26: {  	s0 =	sadd.s32 s3, s9;
	v1 =	vld [tilespmem:s2+$0x180]  }
0x27: {  	s3 =	sadd.s32 s3, s18;
	v2 =	vld [tilespmem:s0+$0x380]  }
0x28: {  	v3 =	vld [tilespmem:s3+$0x380]  }
0x29: {  	v4 =	vld [tilespmem:s2+$0xFFFFFE00]  }
0x2a: {  	v5 =	vld [tilespmem:s2+$0xFFFFFE80]  }
0x2b: {  	v6 =	vld [tilespmem:s2+$0xFFFFFF00]  }
0x2c: {  	v8 =	vld [tilespmem:s2+$0xFFFFFF80];
	v7 =	vperm.xlane v1, v0  }
0x2d: {  	v9 =	vld [tilespmem:s2+$0x0]  }
0x2e: {  	v10 =	vld [tilespmem:s3+$0x0];
	v1 =	vmul.f32 v2, v1;
	v2 =	vmul.f32 v3, v7  }
0x2f: {  	v13 =	vld [tilespmem:s0+$0x80]  }
0x30: {  	v14 =	vld [tilespmem:s3+$0x80];
	v1 =	vadd.f32 v2, v1  }
0x31: {  	s31 =	simm.s32 $0x9B00;
	v15 =	vld [tilespmem:s0+$0x100]  }
0x32: {  	v17 =	vld [tilespmem:s3+$0x100];
	[tilespmem:s31+$0x180] =	vst v1  }
0x33: {  	v1 =	vld [tilespmem:s2+$0x190]  }
0x34: {  	v11 =	vld [tilespmem:s0+$0x390]  }
0x35: {  	v12 =	vld [tilespmem:s3+$0x390]  }
0x36: {  	v18 =	vld [tilespmem:s0+$0x180]  }
0x37: {  	v20 =	vld [tilespmem:s3+$0x200];
	v19 =	vperm.xlane v5, v0  }
0x38: {  	v3 =	vld [tilespmem:s2+$0x80];
	v16 =	vperm.xlane v1, v0  }
0x39: {  	v5 =	vmul.f32 v13, v5;
	v7 =	vld [tilespmem:s2+$0x100];
	v14 =	vmul.f32 v14, v19  }
0x3a: {  	v2 =	vld [tilespmem:s0+$0x0];
	v1 =	vmul.f32 v11, v1;
	v11 =	vmul.f32 v12, v16  }
0x3b: {  	v5 =	vadd.f32 v14, v5;
	v14 =	vld [tilespmem:s0+$0x300]  }
0x3c: {  	v12 =	vld [tilespmem:s3+$0x180];
	v1 =	vadd.f32 v11, v1  }
0x3d: {  	v16 =	vld [tilespmem:s0+$0x200];
	v11 =	vperm.xlane v4, v0  }
0x3e: {  	v22 =	vperm.xlane v8, v0;
	[tilespmem:s31+$0x190] =	vst v1;
	v1 =	vld [tilespmem:s0+$0x280]  }
0x3f: {  	v2 =	vmul.f32 v2, v4;
	v4 =	vmul.f32 v10, v11;
	v10 =	vld [tilespmem:s2+$0x1A0]  }
0x40: {  	v21 =	vperm.xlane v6, v0;
	v6 =	vmul.f32 v15, v6;
	v13 =	vld [tilespmem:s0+$0x3A0]  }
0x41: {  	v8 =	vmul.f32 v18, v8;
	v15 =	vld [tilespmem:s3+$0x3A0];
	v12 =	vmul.f32 v12, v22  }
0x42: {  	[tilespmem:s31+$0xFFFFFE80] =	vst v5;
	v11 =	vperm.xlane v9, v0;
	v2 =	vadd.f32 v4, v2;
	v4 =	vmul.f32 v17, v21;
	v17 =	vld [tilespmem:s3+$0x280]  }
0x43: {  	v5 =	vadd.f32 v12, v8;
	v12 =	vperm.xlane v7, v0;
	v7 =	vmul.f32 v14, v7;
	v14 =	vld [tilespmem:s3+$0x90]  }
0x44: {  	v9 =	vmul.f32 v16, v9;
	[tilespmem:s31+$0xFFFFFE00] =	vst v2;
	v2 =	vadd.f32 v4, v6;
	v4 =	vmul.f32 v20, v11;
	v6 =	vld [tilespmem:s3+$0x300]  }
0x45: {  	v8 =	vld [tilespmem:s2+$0xFFFFFE10]  }
0x46: {  	[tilespmem:s31+$0xFFFFFF00] =	vst v2;
	v2 =	vadd.f32 v4, v9;
	v4 =	vld [tilespmem:s2+$0xFFFFFE90]  }
0x47: {  	[tilespmem:s31+$0xFFFFFF80] =	vst v5;
	v9 =	vmul.f32 v13, v10;
	v13 =	vld [tilespmem:s0+$0x90]  }
0x48: {  	v18 =	vld [tilespmem:s0+$0x190]  }
0x49: {  	v60 =	vld [tilespmem:s3+$0x190]  }
0x4a: {  	v5 =	vld [tilespmem:s2+$0xFFFFFF10]  }
0x4b: {  	v11 =	vperm.xlane v10, v0;
	v16 =	vld [tilespmem:s3+$0x110]  }
0x4c: {  	[tilespmem:s31+$0x0] =	vst v2;
	v2 =	vld [tilespmem:s2+$0xFFFFFF90]  }
0x4d: {  	v10 =	vmul.f32 v15, v11;
	v15 =	vld [tilespmem:s0+$0x110]  }
0x4e: {  	v11 =	vperm.xlane v3, v0;
	v6 =	vmul.f32 v6, v12;
	v12 =	vld [tilespmem:s3+$0x10]  }
0x4f: {  	v9 =	vadd.f32 v10, v9;
	v10 =	vld [tilespmem:s2+$0x10]  }
0x50: {  	v1 =	vmul.f32 v1, v3;
	v3 =	vmul.f32 v17, v11;
	v11 =	vld [tilespmem:s0+$0x10]  }
0x51: {  	v19 =	vperm.xlane v4, v0;
	v4 =	vmul.f32 v13, v4;
	v13 =	vld [tilespmem:s3+$0x210];
	[tilespmem:s31+$0x1A0] =	vst v9  }
0x52: {  	v1 =	vadd.f32 v3, v1;
	v9 =	vld [tilespmem:s2+$0x1B0]  }
0x53: {  	v3 =	vadd.f32 v6, v7;
	v6 =	vld [tilespmem:s0+$0x3B0]  }
0x54: {  	v7 =	vld [tilespmem:s3+$0x3B0];
	[tilespmem:s31+$0x80] =	vst v1  }
0x55: {  	v17 =	vperm.xlane v8, v0;
	v20 =	vperm.xlane v5, v0;
	[tilespmem:s31+$0x100] =	vst v3;
	v1 =	vld [tilespmem:s2+$0x90]  }
0x56: {  	v61 =	vperm.xlane v2, v0;
	v14 =	vmul.f32 v14, v19;
	v3 =	vld [tilespmem:s2+$0x110]  }
0x57: {  	v12 =	vmul.f32 v12, v17;
	v8 =	vmul.f32 v11, v8;
	v11 =	vld [tilespmem:s0+$0x210]  }
0x58: {  	v5 =	vmul.f32 v15, v5;
	v2 =	vmul.f32 v18, v2;
	v19 =	vld [tilespmem:s0+$0x290]  }
0x59: {  	v15 =	vld [tilespmem:s3+$0x290];
	v4 =	vadd.f32 v14, v4;
	v14 =	vmul.f32 v60, v61;
	v8 =	vadd.f32 v12, v8  }
0x5a: {  	v12 =	vmul.f32 v16, v20;
	v16 =	vld [tilespmem:s0+$0x310]  }
0x5b: {  	v2 =	vadd.f32 v14, v2;
	[tilespmem:s31+$0xFFFFFE10] =	vst v8;
	v8 =	vld [tilespmem:s3+$0x310]  }
0x5c: {  	v17 =	vperm.xlane v10, v0;
	[tilespmem:s31+$0xFFFFFE90] =	vst v4;
	v4 =	vmul.f32 v11, v10;
	v10 =	vld [tilespmem:s2+$0xFFFFFE20]  }
0x5d: {  	v5 =	vadd.f32 v12, v5;
	[tilespmem:s31+$0xFFFFFF90] =	vst v2;
	v14 =	vld [tilespmem:s0+$0x20]  }
0x5e: {  	v62 =	vld [tilespmem:s3+$0x1A0]  }
0x5f: {  	v11 =	vmul.f32 v13, v17;
	[tilespmem:s31+$0xFFFFFF10] =	vst v5;
	v5 =	vld [tilespmem:s2+$0xFFFFFEA0]  }
0x60: {  	v18 =	vperm.xlane v1, v0;
	v13 =	vld [tilespmem:s2+$0xFFFFFF20]  }
0x61: {  	v2 =	vadd.f32 v11, v4;
	v11 =	vld [tilespmem:s2+$0xFFFFFFA0]  }
0x62: {  	v4 =	vmul.f32 v15, v18;
	v15 =	vld [tilespmem:s0+$0x120]  }
0x63: {  	v12 =	vperm.xlane v3, v0;
	v3 =	vmul.f32 v16, v3;
	v16 =	vld [tilespmem:s3+$0x120]  }
0x64: {  	v1 =	vmul.f32 v19, v1;
	v18 =	vld [tilespmem:s0+$0x1A0]  }
0x65: {  	[tilespmem:s31+$0x10] =	vst v2;
	v2 =	vmul.f32 v8, v12;
	v8 =	vld [tilespmem:s3+$0x20]  }
0x66: {  	v1 =	vadd.f32 v4, v1;
	v12 =	vld [tilespmem:s3+$0xA0]  }
0x67: {  	v4 =	vld [tilespmem:s2+$0x20]  }
0x68: {  	[tilespmem:s31+$0x90] =	vst v1;
	v1 =	vadd.f32 v2, v3;
	v3 =	vld [tilespmem:s0+$0xA0]  }
0x69: {  	v17 =	vperm.xlane v10, v0;
	v10 =	vmul.f32 v14, v10;
	v14 =	vld [tilespmem:s0+$0x220]  }
0x6a: {  	v19 =	vperm.xlane v5, v0;
	v2 =	vld [tilespmem:s2+$0xA0];
	[tilespmem:s31+$0x110] =	vst v1  }
0x6b: {  	v20 =	vperm.xlane v13, v0;
	v1 =	vld [tilespmem:s2+$0x120]  }
0x6c: {  	v8 =	vmul.f32 v8, v17;
	v12 =	vmul.f32 v12, v19;
	v19 =	vld [tilespmem:s0+$0x2A0]  }
0x6d: {  	v63 =	vperm.xlane v11, v0;
	v3 =	vmul.f32 v3, v5;
	v5 =	vld [tilespmem:s3+$0x220]  }
0x6e: {  	v8 =	vadd.f32 v8, v10;
	v10 =	vmul.f32 v15, v13;
	v13 =	vmul.f32 v16, v20;
	v15 =	vld [tilespmem:s3+$0x2A0]  }
0x6f: {  	v11 =	vmul.f32 v18, v11;
	v16 =	vld [tilespmem:s0+$0x320];
	v3 =	vadd.f32 v12, v3  }
0x70: {  	v17 =	vperm.xlane v4, v0;
	v12 =	vmul.f32 v62, v63;
	[tilespmem:s31+$0xFFFFFE20] =	vst v8;
	v8 =	vadd.f32 v13, v10;
	v10 =	vld [tilespmem:s3+$0x320]  }
0x71: {  	v18 =	vperm.xlane v2, v0;
	v13 =	vld [tilespmem:s2+$0xFFFFFE30];
	v2 =	vmul.f32 v19, v2;
	[tilespmem:s31+$0xFFFFFEA0] =	vst v3  }
0x72: {  	v3 =	vmul.f32 v14, v4;
	v4 =	vadd.f32 v12, v11;
	[tilespmem:s31+$0xFFFFFF20] =	vst v8;
	v11 =	vmul.f32 v5, v17;
	v17 =	vld [tilespmem:s2+$0xFFFFFEB0]  }
0x73: {  	v12 =	vperm.xlane v1, v0;
	v5 =	vld [tilespmem:s2+$0xFFFFFF30];
	v8 =	vmul.f32 v15, v18  }
0x74: {  	v15 =	vld [tilespmem:s0+$0x30];
	[tilespmem:s31+$0xFFFFFFA0] =	vst v4;
	v4 =	vadd.f32 v11, v3  }
0x75: {  	v1 =	vmul.f32 v16, v1;
	v16 =	vld [tilespmem:s3+$0x30];
	v2 =	vadd.f32 v8, v2;
	v8 =	vmul.f32 v10, v12  }
0x76: {  	v19 =	vld [tilespmem:s0+$0xB0];
	[tilespmem:s31+$0x20] =	vst v4  }
0x77: {  	v3 =	vld [tilespmem:s2+$0xFFFFFFB0];
	[tilespmem:s31+$0xA0] =	vst v2;
	v2 =	vadd.f32 v8, v1  }
0x78: {  	v8 =	vperm.xlane v9, v0;
	v4 =	vld [tilespmem:s2+$0x30]  }
0x79: {  	v1 =	vld [tilespmem:s2+$0xB0];
	[tilespmem:s31+$0x120] =	vst v2  }
0x7a: {  	v7 =	vmul.f32 v7, v8;
	v8 =	vperm.xlane v13, v0;
	v2 =	vld [tilespmem:s2+$0x130]  }
0x7b: {  	v6 =	vmul.f32 v6, v9;
	v12 =	vld [tilespmem:s3+$0xB0];
	v11 =	vperm.xlane v17, v0  }
0x7c: {  	v14 =	vld [tilespmem:s0+$0x130];
	v18 =	vmul.f32 v15, v13;
	v16 =	vmul.f32 v16, v8  }
0x7d: {  	v10 =	vperm.xlane v5, v0;
	v17 =	vmul.f32 v19, v17;
	v13 =	vld [tilespmem:s3+$0x130];
	v7 =	vadd.f32 v7, v6  }
0x7e: {  	s11 =	sshll.u32 s28, $0x1;
	s6 =	simm.s32 $0x0;
	v15 =	vld [tilespmem:s0+$0x1B0];
	v9 =	vperm.xlane v3, v0;
	v8 =	vperm.xlane v4, v0;
	v18 =	vadd.f32 v16, v18  }
0x7f: {  	s8 =	sadd.s32 $0x8, s26;
	s21 =	smov.u32 s9;
	s22 =	smov.u32 s18;
	v6 =	vperm.xlane v1, v0;
	[tilespmem:s31+$0x1B0] =	vst v7;
	v16 =	vld [tilespmem:s3+$0x1B0];
	v7 =	vperm.xlane v2, v0  }
.LBB2_3:
0x80: {  	s19 =	smulhi.u32 $0x51EB851F, s8;
	[tilespmem:s31+$0xFFFFFE30] =	vst v18;
	v11 =	vmul.f32 v12, v11;
	v12 =	vld [tilespmem:s0+$0x230]  }
0x81: {  	s6 =	sadd.s32 $0x8, s6;
	v5 =	vmul.f32 v14, v5;
	v14 =	vld [tilespmem:s3+$0x230]  }
0x82: {  	p1 =	slt.u32 s6, $0x78;
	s19 =	sshrl.u32 s19, $0x6;
	v11 =	vadd.f32 v11, v17;
	v10 =	vmul.f32 v13, v10;
	v13 =	vld [tilespmem:s0+$0x2B0]  }
0x83: {  	s19 =	smul.u32 $0xFFFE7000, s19;
	v3 =	vmul.f32 v15, v3;
	v15 =	vld [tilespmem:s3+$0x2B0]  }
0x84: {  	[tilespmem:s31+$0xFFFFFEB0] =	vst v11;
	v5 =	vadd.f32 v10, v5;
	v9 =	vmul.f32 v16, v9;
	v10 =	vld [tilespmem:s0+$0x330]  }
0x85: {  	s21 =	sadd.s32 $0x400, s21;
	s2 =	sadd.s32 $0x400, s2;
	s19 =	sshra.s32 s19, $0x2;
	v4 =	vmul.f32 v12, v4;
	v11 =	vld [tilespmem:s3+$0x330]  }
0x86: {  	s22 =	sadd.s32 $0x400, s22;
	s0 =	sadd.s32 s19, s21;
	v12 =	vld [tilespmem:s2+$0x180];
	[tilespmem:s31+$0xFFFFFF30] =	vst v5;
	v3 =	vadd.f32 v9, v3;
	v5 =	vmul.f32 v14, v8  }
0x87: {  	s3 =	sadd.s32 s19, s22;
	v8 =	vld [tilespmem:s0+$0x380];
	v1 =	vmul.f32 v13, v1  }
0x88: {  	v9 =	vld [tilespmem:s3+$0x380];
	[tilespmem:s31+$0xFFFFFFB0] =	vst v3;
	v3 =	vadd.f32 v5, v4;
	v4 =	vmul.f32 v15, v6  }
0x89: {  	v5 =	vld [tilespmem:s2+$0xFFFFFE00];
	v2 =	vmul.f32 v10, v2  }
0x8a: {  	v6 =	vld [tilespmem:s2+$0xFFFFFE80];
	[tilespmem:s31+$0x30] =	vst v3;
	v1 =	vadd.f32 v4, v1;
	v3 =	vmul.f32 v11, v7  }
0x8b: {  	v4 =	vld [tilespmem:s2+$0xFFFFFF00];
	v7 =	vperm.xlane v12, v0  }
0x8c: {  	v10 =	vld [tilespmem:s2+$0xFFFFFF80];
	[tilespmem:s31+$0xB0] =	vst v1;
	v1 =	vadd.f32 v3, v2  }
0x8d: {  	v3 =	vmul.f32 v8, v12;
	v2 =	vld [tilespmem:s2+$0x0];
	v7 =	vmul.f32 v9, v7  }
0x8e: {  	v8 =	vperm.xlane v5, v0;
	v9 =	vld [tilespmem:s2+$0x80];
	[tilespmem:s31+$0x130] =	vst v1  }
0x8f: {  	v1 =	vperm.xlane v6, v0;
	v11 =	vld [tilespmem:s2+$0x100];
	v3 =	vadd.f32 v7, v3  }
0x90: {  	s31 =	sadd.s32 $0x400, s31;
	v7 =	vld [tilespmem:s0+$0x0];
	v12 =	vperm.xlane v4, v0  }
0x91: {  	v13 =	vld [tilespmem:s3+$0x0];
	v14 =	vperm.xlane v10, v0;
	[tilespmem:s31+$0x180] =	vst v3  }
0x92: {  	v3 =	vperm.xlane v2, v0;
	v15 =	vld [tilespmem:s2+$0x190]  }
0x93: {  	v16 =	vperm.xlane v9, v0;
	v17 =	vld [tilespmem:s0+$0x390]  }
0x94: {  	v18 =	vperm.xlane v11, v0;
	v19 =	vld [tilespmem:s3+$0x390]  }
0x95: {  	v5 =	vmul.f32 v7, v5;
	v7 =	vld [tilespmem:s0+$0x80]  }
0x96: {  	v8 =	vmul.f32 v13, v8;
	v13 =	vld [tilespmem:s3+$0x80]  }
0x97: {  	v20 =	vld [tilespmem:s0+$0x100];
	v21 =	vperm.xlane v15, v0  }
0x98: {  	v5 =	vadd.f32 v8, v5;
	v8 =	vld [tilespmem:s3+$0x100]  }
0x99: {  	v15 =	vmul.f32 v17, v15;
	v22 =	vld [tilespmem:s0+$0x180];
	v17 =	vmul.f32 v19, v21  }
0x9a: {  	[tilespmem:s31+$0xFFFFFE00] =	vst v5;
	v5 =	vmul.f32 v7, v6;
	v6 =	vld [tilespmem:s3+$0x180]  }
0x9b: {  	v1 =	vmul.f32 v13, v1;
	v7 =	vld [tilespmem:s0+$0x200];
	v13 =	vadd.f32 v17, v15  }
0x9c: {  	v4 =	vmul.f32 v20, v4;
	v15 =	vld [tilespmem:s3+$0x200]  }
0x9d: {  	v1 =	vadd.f32 v1, v5;
	v5 =	vmul.f32 v8, v12;
	v8 =	vld [tilespmem:s0+$0x280];
	[tilespmem:s31+$0x190] =	vst v13  }
0x9e: {  	v10 =	vmul.f32 v22, v10;
	v12 =	vld [tilespmem:s2+$0x1A0]  }
0x9f: {  	[tilespmem:s31+$0xFFFFFE80] =	vst v1;
	v1 =	vadd.f32 v5, v4;
	v4 =	vmul.f32 v6, v14;
	v5 =	vld [tilespmem:s0+$0x3A0]  }
0xa0: {  	v2 =	vmul.f32 v7, v2;
	v6 =	vld [tilespmem:s3+$0x3A0]  }
0xa1: {  	[tilespmem:s31+$0xFFFFFF00] =	vst v1;
	v1 =	vadd.f32 v4, v10;
	v3 =	vmul.f32 v15, v3;
	v4 =	vld [tilespmem:s3+$0x280]  }
0xa2: {  	v7 =	vmul.f32 v8, v9;
	v8 =	vld [tilespmem:s0+$0x300]  }
0xa3: {  	[tilespmem:s31+$0xFFFFFF80] =	vst v1;
	v1 =	vadd.f32 v3, v2;
	v2 =	vld [tilespmem:s3+$0x300];
	v3 =	vperm.xlane v12, v0  }
0xa4: {  	v9 =	vld [tilespmem:s2+$0xFFFFFE10]  }
0xa5: {  	v10 =	vld [tilespmem:s2+$0xFFFFFE90];
	[tilespmem:s31+$0x0] =	vst v1;
	v1 =	vmul.f32 v5, v12;
	v3 =	vmul.f32 v6, v3  }
0xa6: {  	v5 =	vld [tilespmem:s2+$0xFFFFFF10];
	v4 =	vmul.f32 v4, v16  }
0xa7: {  	v6 =	vld [tilespmem:s2+$0xFFFFFF90];
	v8 =	vmul.f32 v8, v11;
	v1 =	vadd.f32 v3, v1  }
0xa8: {  	v3 =	vld [tilespmem:s2+$0x10];
	v4 =	vadd.f32 v4, v7;
	v2 =	vmul.f32 v2, v18  }
0xa9: {  	v7 =	vperm.xlane v9, v0;
	v11 =	vld [tilespmem:s0+$0x10];
	[tilespmem:s31+$0x1A0] =	vst v1  }
0xaa: {  	v1 =	vperm.xlane v10, v0;
	[tilespmem:s31+$0x80] =	vst v4;
	v2 =	vadd.f32 v2, v8;
	v4 =	vld [tilespmem:s2+$0x1B0]  }
0xab: {  	v8 =	vperm.xlane v5, v0;
	v12 =	vld [tilespmem:s0+$0x3B0]  }
0xac: {  	v13 =	vperm.xlane v6, v0;
	[tilespmem:s31+$0x100] =	vst v2;
	v2 =	vld [tilespmem:s3+$0x3B0]  }
0xad: {  	v14 =	vperm.xlane v3, v0;
	v15 =	vld [tilespmem:s2+$0x90]  }
0xae: {  	v9 =	vmul.f32 v11, v9;
	v11 =	vld [tilespmem:s2+$0x110]  }
0xaf: {  	v16 =	vld [tilespmem:s3+$0x10];
	v17 =	vperm.xlane v4, v0  }
0xb0: {  	v18 =	vld [tilespmem:s0+$0x90]  }
0xb1: {  	v4 =	vmul.f32 v12, v4;
	v19 =	vld [tilespmem:s3+$0x90];
	v2 =	vmul.f32 v2, v17  }
0xb2: {  	v12 =	vld [tilespmem:s0+$0x110];
	v17 =	vperm.xlane v15, v0  }
0xb3: {  	v20 =	vld [tilespmem:s3+$0x110];
	v21 =	vperm.xlane v11, v0;
	v2 =	vadd.f32 v2, v4  }
0xb4: {  	v4 =	vmul.f32 v16, v7;
	v7 =	vld [tilespmem:s0+$0x190]  }
0xb5: {  	v10 =	vmul.f32 v18, v10;
	v16 =	vld [tilespmem:s3+$0x190];
	[tilespmem:s31+$0x1B0] =	vst v2  }
0xb6: {  	v2 =	vadd.f32 v4, v9;
	v1 =	vmul.f32 v19, v1;
	v4 =	vld [tilespmem:s0+$0x210]  }
0xb7: {  	v5 =	vmul.f32 v12, v5;
	v9 =	vld [tilespmem:s3+$0x210]  }
0xb8: {  	[tilespmem:s31+$0xFFFFFE10] =	vst v2;
	v1 =	vadd.f32 v1, v10;
	v2 =	vmul.f32 v20, v8;
	v8 =	vld [tilespmem:s0+$0x290]  }
0xb9: {  	v6 =	vmul.f32 v7, v6;
	v7 =	vld [tilespmem:s3+$0x290]  }
0xba: {  	[tilespmem:s31+$0xFFFFFE90] =	vst v1;
	v1 =	vadd.f32 v2, v5;
	v2 =	vmul.f32 v16, v13;
	v5 =	vld [tilespmem:s0+$0x310]  }
0xbb: {  	v3 =	vmul.f32 v4, v3;
	v4 =	vld [tilespmem:s3+$0x310]  }
0xbc: {  	v10 =	vld [tilespmem:s2+$0xFFFFFE20];
	[tilespmem:s31+$0xFFFFFF10] =	vst v1;
	v1 =	vadd.f32 v2, v6;
	v2 =	vmul.f32 v9, v14  }
0xbd: {  	v6 =	vld [tilespmem:s2+$0xFFFFFEA0];
	v8 =	vmul.f32 v8, v15  }
0xbe: {  	v9 =	vld [tilespmem:s2+$0xFFFFFF20];
	[tilespmem:s31+$0xFFFFFF90] =	vst v1;
	v1 =	vadd.f32 v2, v3;
	v2 =	vmul.f32 v7, v17  }
0xbf: {  	v3 =	vld [tilespmem:s2+$0xFFFFFFA0];
	v5 =	vmul.f32 v5, v11  }
0xc0: {  	v7 =	vld [tilespmem:s0+$0x20];
	[tilespmem:s31+$0x10] =	vst v1;
	v1 =	vadd.f32 v2, v8;
	v2 =	vmul.f32 v4, v21  }
0xc1: {  	v4 =	vperm.xlane v10, v0;
	v8 =	vld [tilespmem:s2+$0x20]  }
0xc2: {  	v11 =	vld [tilespmem:s3+$0x20];
	v12 =	vperm.xlane v6, v0;
	[tilespmem:s31+$0x90] =	vst v1;
	v1 =	vadd.f32 v2, v5  }
0xc3: {  	v2 =	vperm.xlane v9, v0;
	v5 =	vld [tilespmem:s2+$0xA0]  }
0xc4: {  	v13 =	vld [tilespmem:s0+$0xA0];
	v14 =	vperm.xlane v3, v0;
	[tilespmem:s31+$0x110] =	vst v1  }
0xc5: {  	v1 =	vmul.f32 v7, v10;
	v7 =	vld [tilespmem:s2+$0x120]  }
0xc6: {  	v10 =	vld [tilespmem:s3+$0xA0];
	v15 =	vperm.xlane v8, v0  }
0xc7: {  	v4 =	vmul.f32 v11, v4;
	v11 =	vld [tilespmem:s0+$0x120]  }
0xc8: {  	v16 =	vld [tilespmem:s3+$0x120];
	v17 =	vperm.xlane v5, v0  }
0xc9: {  	v1 =	vadd.f32 v4, v1;
	v4 =	vmul.f32 v13, v6;
	v6 =	vld [tilespmem:s0+$0x1A0]  }
0xca: {  	v13 =	vld [tilespmem:s3+$0x1A0];
	v18 =	vperm.xlane v7, v0  }
0xcb: {  	[tilespmem:s31+$0xFFFFFE20] =	vst v1;
	v1 =	vmul.f32 v10, v12;
	v10 =	vld [tilespmem:s0+$0x220]  }
0xcc: {  	v9 =	vmul.f32 v11, v9;
	v11 =	vld [tilespmem:s3+$0x220]  }
0xcd: {  	v1 =	vadd.f32 v1, v4;
	v2 =	vmul.f32 v16, v2;
	v4 =	vld [tilespmem:s0+$0x2A0]  }
0xce: {  	v3 =	vmul.f32 v6, v3;
	v6 =	vld [tilespmem:s3+$0x2A0]  }
0xcf: {  	[tilespmem:s31+$0xFFFFFEA0] =	vst v1;
	v1 =	vadd.f32 v2, v9;
	v2 =	vmul.f32 v13, v14;
	v9 =	vld [tilespmem:s0+$0x320]  }
0xd0: {  	v8 =	vmul.f32 v10, v8;
	v10 =	vld [tilespmem:s3+$0x320]  }
0xd1: {  	v12 =	vld [tilespmem:s2+$0xFFFFFE30];
	[tilespmem:s31+$0xFFFFFF20] =	vst v1;
	v1 =	vadd.f32 v2, v3;
	v2 =	vmul.f32 v11, v15  }
0xd2: {  	v15 =	vld [tilespmem:s2+$0xFFFFFEB0];
	v4 =	vmul.f32 v4, v5  }
0xd3: {  	v5 =	vld [tilespmem:s2+$0xFFFFFF30];
	[tilespmem:s31+$0xFFFFFFA0] =	vst v1;
	v1 =	vadd.f32 v2, v8;
	v2 =	vmul.f32 v6, v17  }
0xd4: {  	v3 =	vld [tilespmem:s2+$0xFFFFFFB0];
	v6 =	vmul.f32 v9, v7  }
0xd5: {  	v7 =	vld [tilespmem:s0+$0x30];
	[tilespmem:s31+$0x20] =	vst v1;
	v1 =	vadd.f32 v2, v4;
	v2 =	vmul.f32 v10, v18  }
0xd6: {  	v13 =	vperm.xlane v12, v0;
	v4 =	vld [tilespmem:s2+$0x30]  }
0xd7: {  	v14 =	vld [tilespmem:s3+$0x30];
	v11 =	vperm.xlane v15, v0;
	[tilespmem:s31+$0xA0] =	vst v1;
	v2 =	vadd.f32 v2, v6  }
0xd8: {  	v10 =	vperm.xlane v5, v0;
	v1 =	vld [tilespmem:s2+$0xB0]  }
0xd9: {  	v16 =	vld [tilespmem:s0+$0xB0];
	v9 =	vperm.xlane v3, v0;
	[tilespmem:s31+$0x120] =	vst v2  }
0xda: {  	v7 =	vmul.f32 v7, v12;
	v2 =	vld [tilespmem:s2+$0x130]  }
.Ltmp0:
0xdb: {  	v12 =	vld [tilespmem:s3+$0xB0];
	v8 =	vperm.xlane v4, v0;
	(pc) =	sbr.rel @p1 .LBB2_3-.Ltmp0, $4  }
0xdc: {  	v17 =	vmul.f32 v14, v13;
	v14 =	vld [tilespmem:s0+$0x130]  }
0xdd: {  	v13 =	vld [tilespmem:s3+$0x130];
	v6 =	vperm.xlane v1, v0  }
0xde: {  	v18 =	vadd.f32 v17, v7;
	v17 =	vmul.f32 v16, v15;
	v15 =	vld [tilespmem:s0+$0x1B0]  }
0xdf: {  	s8 =	sadd.s32 $0x8, s8;
	v16 =	vld [tilespmem:s3+$0x1B0];
	v7 =	vperm.xlane v2, v0  }
0xe0: {  	v19 =	vld [tilespmem:s0+$0x230]  }
0xe1: {  	v20 =	vld [tilespmem:s3+$0x230]  }
0xe2: {  	v21 =	vld [tilespmem:s0+$0x2B0]  }
0xe3: {  	v22 =	vld [tilespmem:s3+$0x2B0]  }
0xe4: {  	v23 =	vld [tilespmem:s0+$0x330]  }
0xe5: {  	v11 =	vmul.f32 v12, v11;
	v12 =	vld [tilespmem:s3+$0x330]  }
0xe6: {  	v5 =	vmul.f32 v14, v5;
	v10 =	vmul.f32 v13, v10  }
0xe7: {  	v11 =	vadd.f32 v11, v17;
	v3 =	vmul.f32 v15, v3;
	v9 =	vmul.f32 v16, v9  }
0xe8: {  	[tilespmem:s31+$0xFFFFFE30] =	vst v18;
	v5 =	vadd.f32 v10, v5;
	v4 =	vmul.f32 v19, v4;
	v8 =	vmul.f32 v20, v8  }
0xe9: {  	[tilespmem:s31+$0xFFFFFEB0] =	vst v11;
	v1 =	vmul.f32 v21, v1;
	v6 =	vmul.f32 v22, v6;
	v3 =	vadd.f32 v9, v3  }
0xea: {  	v2 =	vmul.f32 v23, v2;
	[tilespmem:s31+$0xFFFFFF30] =	vst v5;
	v5 =	vmul.f32 v12, v7;
	v4 =	vadd.f32 v8, v4  }
0xeb: {  	v1 =	vadd.f32 v6, v1;
	[tilespmem:s31+$0xFFFFFFB0] =	vst v3  }
0xec: {  	s22 =	sadd.s32 s5, s30;
	v2 =	vadd.f32 v5, v2;
	[tilespmem:s31+$0x30] =	vst v4  }
0xed: {  	s6 =	sor.u32 $0x1, s11;
	s0 =	sshll.u32 s22, $0x4;
	[tilespmem:s31+$0xB0] =	vst v1  }
0xee: {  	p1 =	sgt.u32 s6, $0x30;
	s0 =	sadd.s32 s7, s0;
	[tilespmem:s31+$0x130] =	vst v2  }
0xef: {  	[hbm4b:s0+s4] =	stream.linear.scatter [tilespmem:s15], [sflag:$0x3], $0x4000, $0x38;
	[tilespmem:$0x1E100] =	vst v63  }
0xf0: {  	s2 =	simm.s32 @!p1 $0x80;
	s3 =	simm.s32 @!p1 $0x1900;
	s0 =	sadd.s32 @!p1 $0x100, s29  }
0xf1: {  	[tilespmem:s3], [sflag:$0x1] =	stream.indirect.gather @!p1 [hbm4b:s1+s2], $0x80, s0, s2, $0xb8;
	[tilespmem:$0x1E100] =	vst v63  }
0xf2: {  	s30 =	smulhi.u32 $0x51EB851F, s25;
	_ =	swait.ge [sflag:s16], $0x4000  }
0xf3: {  	[sflag:s16] =	ssyncset.done $0x0  }
0xf4: {  	s2 =	simm.s32 @!p0 $0x4;
	s0 =	sshrl.u32 s30, $0x6;
	[sflag:s16] =	ssyncadd.s32 $0xFFFFC000  }
0xf5: {  	s0 =	smul.u32 $0xFFFE7000, s0;
	_ =	swait.ge @!p0 [sflag:s2], $0x4000  }
0xf6: {  	[sflag:s2] =	ssyncset.done @!p0 $0x0  }
0xf7: {  	s31 =	sshra.s32 s0, $0x2;
	[sflag:s2] =	ssyncadd.s32 @!p0 $0xFFFFC000;
	s2 =	simm.s32 $0x5B00  }
0xf8: {  	s0 =	sadd.s32 s31, s23;
	v1 =	vld [tilespmem:s2+$0x180]  }
0xf9: {  	s3 =	sadd.s32 s31, s24;
	v2 =	vld [tilespmem:s0+$0x380]  }
0xfa: {  	v3 =	vld [tilespmem:s3+$0xFFFFFFD0]  }
0xfb: {  	v4 =	vld [tilespmem:s2+$0xFFFFFE00]  }
0xfc: {  	v5 =	vld [tilespmem:s2+$0xFFFFFE80]  }
0xfd: {  	v6 =	vld [tilespmem:s2+$0xFFFFFF00]  }
0xfe: {  	v8 =	vld [tilespmem:s2+$0xFFFFFF80];
	v7 =	vperm.xlane v1, v0  }
0xff: {  	v9 =	vld [tilespmem:s2+$0x0]  }
0x100: {  	v10 =	vld [tilespmem:s3+$0xFFFFFC50];
	v1 =	vmul.f32 v2, v1;
	v2 =	vmul.f32 v3, v7  }
0x101: {  	v13 =	vld [tilespmem:s0+$0x80]  }
0x102: {  	v14 =	vld [tilespmem:s3+$0xFFFFFCD0];
	v1 =	vadd.f32 v2, v1  }
0x103: {  	s29 =	simm.s32 $0xDB00;
	v15 =	vld [tilespmem:s0+$0x100]  }
0x104: {  	v17 =	vld [tilespmem:s3+$0xFFFFFD50];
	[tilespmem:s29+$0x180] =	vst v1  }
0x105: {  	v1 =	vld [tilespmem:s2+$0x190]  }
0x106: {  	v11 =	vld [tilespmem:s0+$0x390]  }
0x107: {  	v12 =	vld [tilespmem:s3+$0xFFFFFFE0]  }
0x108: {  	v18 =	vld [tilespmem:s0+$0x180]  }
0x109: {  	v20 =	vld [tilespmem:s3+$0xFFFFFE50];
	v19 =	vperm.xlane v5, v0  }
0x10a: {  	v3 =	vld [tilespmem:s2+$0x80];
	v16 =	vperm.xlane v1, v0  }
0x10b: {  	v5 =	vmul.f32 v13, v5;
	v7 =	vld [tilespmem:s2+$0x100];
	v14 =	vmul.f32 v14, v19  }
0x10c: {  	v2 =	vld [tilespmem:s0+$0x0];
	v1 =	vmul.f32 v11, v1;
	v11 =	vmul.f32 v12, v16  }
0x10d: {  	v5 =	vadd.f32 v14, v5;
	v14 =	vld [tilespmem:s0+$0x300]  }
0x10e: {  	v12 =	vld [tilespmem:s3+$0xFFFFFDD0];
	v1 =	vadd.f32 v11, v1  }
0x10f: {  	v16 =	vld [tilespmem:s0+$0x200];
	v11 =	vperm.xlane v4, v0  }
0x110: {  	v59 =	vperm.xlane v8, v0;
	[tilespmem:s29+$0x190] =	vst v1;
	v1 =	vld [tilespmem:s0+$0x280]  }
0x111: {  	v2 =	vmul.f32 v2, v4;
	v4 =	vmul.f32 v10, v11;
	v10 =	vld [tilespmem:s2+$0x1A0]  }
0x112: {  	v58 =	vperm.xlane v6, v0;
	v6 =	vmul.f32 v15, v6;
	v13 =	vld [tilespmem:s0+$0x3A0]  }
0x113: {  	v8 =	vmul.f32 v18, v8;
	v15 =	vld [tilespmem:s3+$0xFFFFFFF0];
	v12 =	vmul.f32 v12, v59  }
0x114: {  	[tilespmem:s29+$0xFFFFFE80] =	vst v5;
	v11 =	vperm.xlane v9, v0;
	v2 =	vadd.f32 v4, v2;
	v4 =	vmul.f32 v17, v58;
	v17 =	vld [tilespmem:s3+$0xFFFFFED0]  }
0x115: {  	v5 =	vadd.f32 v12, v8;
	v12 =	vperm.xlane v7, v0;
	v7 =	vmul.f32 v14, v7;
	v14 =	vld [tilespmem:s3+$0xFFFFFCE0]  }
0x116: {  	v9 =	vmul.f32 v16, v9;
	[tilespmem:s29+$0xFFFFFE00] =	vst v2;
	v2 =	vadd.f32 v4, v6;
	v4 =	vmul.f32 v20, v11;
	v6 =	vld [tilespmem:s3+$0xFFFFFF50]  }
0x117: {  	v8 =	vld [tilespmem:s2+$0xFFFFFE10]  }
0x118: {  	[tilespmem:s29+$0xFFFFFF00] =	vst v2;
	v2 =	vadd.f32 v4, v9;
	v4 =	vld [tilespmem:s2+$0xFFFFFE90]  }
0x119: {  	[tilespmem:s29+$0xFFFFFF80] =	vst v5;
	v9 =	vmul.f32 v13, v10;
	v13 =	vld [tilespmem:s0+$0x90]  }
0x11a: {  	v18 =	vld [tilespmem:s0+$0x190]  }
0x11b: {  	v60 =	vld [tilespmem:s3+$0xFFFFFDE0]  }
0x11c: {  	v5 =	vld [tilespmem:s2+$0xFFFFFF10]  }
0x11d: {  	v11 =	vperm.xlane v10, v0;
	v16 =	vld [tilespmem:s3+$0xFFFFFD60]  }
0x11e: {  	[tilespmem:s29+$0x0] =	vst v2;
	v2 =	vld [tilespmem:s2+$0xFFFFFF90]  }
0x11f: {  	v10 =	vmul.f32 v15, v11;
	v15 =	vld [tilespmem:s0+$0x110]  }
0x120: {  	v11 =	vperm.xlane v3, v0;
	v6 =	vmul.f32 v6, v12;
	v12 =	vld [tilespmem:s3+$0xFFFFFC60]  }
0x121: {  	v9 =	vadd.f32 v10, v9;
	v10 =	vld [tilespmem:s2+$0x10]  }
0x122: {  	v1 =	vmul.f32 v1, v3;
	v3 =	vmul.f32 v17, v11;
	v11 =	vld [tilespmem:s0+$0x10]  }
0x123: {  	v19 =	vperm.xlane v4, v0;
	v4 =	vmul.f32 v13, v4;
	v13 =	vld [tilespmem:s3+$0xFFFFFE60];
	[tilespmem:s29+$0x1A0] =	vst v9  }
0x124: {  	v1 =	vadd.f32 v3, v1;
	v9 =	vld [tilespmem:s2+$0x1B0]  }
0x125: {  	v3 =	vadd.f32 v6, v7;
	v6 =	vld [tilespmem:s0+$0x3B0]  }
0x126: {  	v7 =	vld [tilespmem:s3+$0x0];
	[tilespmem:s29+$0x80] =	vst v1  }
0x127: {  	v17 =	vperm.xlane v8, v0;
	v20 =	vperm.xlane v5, v0;
	[tilespmem:s29+$0x100] =	vst v3;
	v1 =	vld [tilespmem:s2+$0x90]  }
0x128: {  	v61 =	vperm.xlane v2, v0;
	v14 =	vmul.f32 v14, v19;
	v3 =	vld [tilespmem:s2+$0x110]  }
0x129: {  	v12 =	vmul.f32 v12, v17;
	v8 =	vmul.f32 v11, v8;
	v11 =	vld [tilespmem:s0+$0x210]  }
0x12a: {  	v5 =	vmul.f32 v15, v5;
	v2 =	vmul.f32 v18, v2;
	v19 =	vld [tilespmem:s0+$0x290]  }
0x12b: {  	v15 =	vld [tilespmem:s3+$0xFFFFFEE0];
	v4 =	vadd.f32 v14, v4;
	v14 =	vmul.f32 v60, v61;
	v8 =	vadd.f32 v12, v8  }
0x12c: {  	v12 =	vmul.f32 v16, v20;
	v16 =	vld [tilespmem:s0+$0x310]  }
0x12d: {  	v2 =	vadd.f32 v14, v2;
	[tilespmem:s29+$0xFFFFFE10] =	vst v8;
	v8 =	vld [tilespmem:s3+$0xFFFFFF60]  }
0x12e: {  	v17 =	vperm.xlane v10, v0;
	[tilespmem:s29+$0xFFFFFE90] =	vst v4;
	v4 =	vmul.f32 v11, v10;
	v10 =	vld [tilespmem:s2+$0xFFFFFE20]  }
0x12f: {  	v5 =	vadd.f32 v12, v5;
	[tilespmem:s29+$0xFFFFFF90] =	vst v2;
	v14 =	vld [tilespmem:s0+$0x20]  }
0x130: {  	v62 =	vld [tilespmem:s3+$0xFFFFFDF0]  }
0x131: {  	v11 =	vmul.f32 v13, v17;
	[tilespmem:s29+$0xFFFFFF10] =	vst v5;
	v5 =	vld [tilespmem:s2+$0xFFFFFEA0]  }
0x132: {  	v18 =	vperm.xlane v1, v0;
	v13 =	vld [tilespmem:s2+$0xFFFFFF20]  }
0x133: {  	v2 =	vadd.f32 v11, v4;
	v11 =	vld [tilespmem:s2+$0xFFFFFFA0]  }
0x134: {  	v4 =	vmul.f32 v15, v18;
	v15 =	vld [tilespmem:s0+$0x120]  }
0x135: {  	v12 =	vperm.xlane v3, v0;
	v3 =	vmul.f32 v16, v3;
	v16 =	vld [tilespmem:s3+$0xFFFFFD70]  }
0x136: {  	v1 =	vmul.f32 v19, v1;
	v18 =	vld [tilespmem:s0+$0x1A0]  }
0x137: {  	[tilespmem:s29+$0x10] =	vst v2;
	v2 =	vmul.f32 v8, v12;
	v8 =	vld [tilespmem:s3+$0xFFFFFC70]  }
0x138: {  	v1 =	vadd.f32 v4, v1;
	v12 =	vld [tilespmem:s3+$0xFFFFFCF0]  }
0x139: {  	v4 =	vld [tilespmem:s2+$0x20]  }
0x13a: {  	[tilespmem:s29+$0x90] =	vst v1;
	v1 =	vadd.f32 v2, v3;
	v3 =	vld [tilespmem:s0+$0xA0]  }
0x13b: {  	v17 =	vperm.xlane v10, v0;
	v10 =	vmul.f32 v14, v10;
	v14 =	vld [tilespmem:s0+$0x220]  }
0x13c: {  	v19 =	vperm.xlane v5, v0;
	v2 =	vld [tilespmem:s2+$0xA0];
	[tilespmem:s29+$0x110] =	vst v1  }
0x13d: {  	v20 =	vperm.xlane v13, v0;
	v1 =	vld [tilespmem:s2+$0x120]  }
0x13e: {  	v8 =	vmul.f32 v8, v17;
	v12 =	vmul.f32 v12, v19;
	v19 =	vld [tilespmem:s0+$0x2A0]  }
0x13f: {  	v63 =	vperm.xlane v11, v0;
	v3 =	vmul.f32 v3, v5;
	v5 =	vld [tilespmem:s3+$0xFFFFFE70]  }
0x140: {  	v8 =	vadd.f32 v8, v10;
	v10 =	vmul.f32 v15, v13;
	v13 =	vmul.f32 v16, v20;
	v15 =	vld [tilespmem:s3+$0xFFFFFEF0]  }
0x141: {  	v11 =	vmul.f32 v18, v11;
	v16 =	vld [tilespmem:s0+$0x320];
	v3 =	vadd.f32 v12, v3  }
0x142: {  	v17 =	vperm.xlane v4, v0;
	v12 =	vmul.f32 v62, v63;
	[tilespmem:s29+$0xFFFFFE20] =	vst v8;
	v8 =	vadd.f32 v13, v10;
	v10 =	vld [tilespmem:s3+$0xFFFFFF70]  }
0x143: {  	v18 =	vperm.xlane v2, v0;
	v13 =	vld [tilespmem:s2+$0xFFFFFE30];
	v2 =	vmul.f32 v19, v2;
	[tilespmem:s29+$0xFFFFFEA0] =	vst v3  }
0x144: {  	v3 =	vmul.f32 v14, v4;
	v4 =	vadd.f32 v12, v11;
	[tilespmem:s29+$0xFFFFFF20] =	vst v8;
	v11 =	vmul.f32 v5, v17;
	v17 =	vld [tilespmem:s2+$0xFFFFFEB0]  }
0x145: {  	v12 =	vperm.xlane v1, v0;
	v5 =	vld [tilespmem:s2+$0xFFFFFF30];
	v8 =	vmul.f32 v15, v18  }
0x146: {  	v15 =	vld [tilespmem:s0+$0x30];
	[tilespmem:s29+$0xFFFFFFA0] =	vst v4;
	v4 =	vadd.f32 v11, v3  }
0x147: {  	v1 =	vmul.f32 v16, v1;
	v16 =	vld [tilespmem:s3+$0xFFFFFC80];
	v2 =	vadd.f32 v8, v2;
	v8 =	vmul.f32 v10, v12  }
0x148: {  	v19 =	vld [tilespmem:s0+$0xB0];
	[tilespmem:s29+$0x20] =	vst v4  }
0x149: {  	v3 =	vld [tilespmem:s2+$0xFFFFFFB0];
	[tilespmem:s29+$0xA0] =	vst v2;
	v2 =	vadd.f32 v8, v1  }
0x14a: {  	v8 =	vperm.xlane v9, v0;
	v4 =	vld [tilespmem:s2+$0x30]  }
0x14b: {  	v1 =	vld [tilespmem:s2+$0xB0];
	[tilespmem:s29+$0x120] =	vst v2  }
0x14c: {  	v7 =	vmul.f32 v7, v8;
	v8 =	vperm.xlane v13, v0;
	v2 =	vld [tilespmem:s2+$0x130]  }
0x14d: {  	v6 =	vmul.f32 v6, v9;
	v12 =	vld [tilespmem:s3+$0xFFFFFD00];
	v11 =	vperm.xlane v17, v0  }
0x14e: {  	v14 =	vld [tilespmem:s0+$0x130];
	v18 =	vmul.f32 v15, v13;
	v16 =	vmul.f32 v16, v8  }
0x14f: {  	v10 =	vperm.xlane v5, v0;
	v17 =	vmul.f32 v19, v17;
	v13 =	vld [tilespmem:s3+$0xFFFFFD80];
	v7 =	vadd.f32 v7, v6  }
0x150: {  	s8 =	sadd.s32 $0x8, s25;
	s21 =	smov.u32 s23;
	v15 =	vld [tilespmem:s0+$0x1B0];
	v9 =	vperm.xlane v3, v0;
	v8 =	vperm.xlane v4, v0;
	v18 =	vadd.f32 v16, v18  }
0x151: {  	s11 =	sshll.u32 s6, $0x7;
	s6 =	simm.s32 $0x0;
	s22 =	smov.u32 s24;
	v6 =	vperm.xlane v1, v0;
	[tilespmem:s29+$0x1B0] =	vst v7;
	v16 =	vld [tilespmem:s3+$0xFFFFFE00];
	v7 =	vperm.xlane v2, v0  }
.LBB2_5:
0x152: {  	s19 =	smulhi.u32 $0x51EB851F, s8;
	[tilespmem:s29+$0xFFFFFE30] =	vst v18;
	v11 =	vmul.f32 v12, v11;
	v12 =	vld [tilespmem:s0+$0x230]  }
0x153: {  	s6 =	sadd.s32 $0x8, s6;
	v5 =	vmul.f32 v14, v5;
	v14 =	vld [tilespmem:s3+$0xFFFFFE80]  }
0x154: {  	p0 =	slt.u32 s6, $0x78;
	s19 =	sshrl.u32 s19, $0x6;
	v11 =	vadd.f32 v11, v17;
	v10 =	vmul.f32 v13, v10;
	v13 =	vld [tilespmem:s0+$0x2B0]  }
0x155: {  	s19 =	smul.u32 $0xFFFE7000, s19;
	v3 =	vmul.f32 v15, v3;
	v15 =	vld [tilespmem:s3+$0xFFFFFF00]  }
0x156: {  	[tilespmem:s29+$0xFFFFFEB0] =	vst v11;
	v5 =	vadd.f32 v10, v5;
	v9 =	vmul.f32 v16, v9;
	v10 =	vld [tilespmem:s0+$0x330]  }
0x157: {  	s21 =	sadd.s32 $0x400, s21;
	s2 =	sadd.s32 $0x400, s2;
	s19 =	sshra.s32 s19, $0x2;
	v4 =	vmul.f32 v12, v4;
	v11 =	vld [tilespmem:s3+$0xFFFFFF80]  }
0x158: {  	s22 =	sadd.s32 $0x400, s22;
	s0 =	sadd.s32 s19, s21;
	v12 =	vld [tilespmem:s2+$0x180];
	[tilespmem:s29+$0xFFFFFF30] =	vst v5;
	v3 =	vadd.f32 v9, v3;
	v5 =	vmul.f32 v14, v8  }
0x159: {  	s3 =	sadd.s32 s19, s22;
	v8 =	vld [tilespmem:s0+$0x380];
	v1 =	vmul.f32 v13, v1  }
0x15a: {  	v9 =	vld [tilespmem:s3+$0xFFFFFFD0];
	[tilespmem:s29+$0xFFFFFFB0] =	vst v3;
	v3 =	vadd.f32 v5, v4;
	v4 =	vmul.f32 v15, v6  }
0x15b: {  	v5 =	vld [tilespmem:s2+$0xFFFFFE00];
	v2 =	vmul.f32 v10, v2  }
0x15c: {  	v6 =	vld [tilespmem:s2+$0xFFFFFE80];
	[tilespmem:s29+$0x30] =	vst v3;
	v1 =	vadd.f32 v4, v1;
	v3 =	vmul.f32 v11, v7  }
0x15d: {  	v4 =	vld [tilespmem:s2+$0xFFFFFF00];
	v7 =	vperm.xlane v12, v0  }
0x15e: {  	v10 =	vld [tilespmem:s2+$0xFFFFFF80];
	[tilespmem:s29+$0xB0] =	vst v1;
	v1 =	vadd.f32 v3, v2  }
0x15f: {  	v3 =	vmul.f32 v8, v12;
	v2 =	vld [tilespmem:s2+$0x0];
	v7 =	vmul.f32 v9, v7  }
0x160: {  	v8 =	vperm.xlane v5, v0;
	v9 =	vld [tilespmem:s2+$0x80];
	[tilespmem:s29+$0x130] =	vst v1  }
0x161: {  	v1 =	vperm.xlane v6, v0;
	v11 =	vld [tilespmem:s2+$0x100];
	v3 =	vadd.f32 v7, v3  }
0x162: {  	s29 =	sadd.s32 $0x400, s29;
	v7 =	vld [tilespmem:s0+$0x0];
	v12 =	vperm.xlane v4, v0  }
0x163: {  	v13 =	vld [tilespmem:s3+$0xFFFFFC50];
	v14 =	vperm.xlane v10, v0;
	[tilespmem:s29+$0x180] =	vst v3  }
0x164: {  	v3 =	vperm.xlane v2, v0;
	v15 =	vld [tilespmem:s2+$0x190]  }
0x165: {  	v16 =	vperm.xlane v9, v0;
	v17 =	vld [tilespmem:s0+$0x390]  }
0x166: {  	v18 =	vperm.xlane v11, v0;
	v19 =	vld [tilespmem:s3+$0xFFFFFFE0]  }
0x167: {  	v5 =	vmul.f32 v7, v5;
	v7 =	vld [tilespmem:s0+$0x80]  }
0x168: {  	v8 =	vmul.f32 v13, v8;
	v13 =	vld [tilespmem:s3+$0xFFFFFCD0]  }
0x169: {  	v20 =	vld [tilespmem:s0+$0x100];
	v21 =	vperm.xlane v15, v0  }
0x16a: {  	v5 =	vadd.f32 v8, v5;
	v8 =	vld [tilespmem:s3+$0xFFFFFD50]  }
0x16b: {  	v15 =	vmul.f32 v17, v15;
	v22 =	vld [tilespmem:s0+$0x180];
	v17 =	vmul.f32 v19, v21  }
0x16c: {  	[tilespmem:s29+$0xFFFFFE00] =	vst v5;
	v5 =	vmul.f32 v7, v6;
	v6 =	vld [tilespmem:s3+$0xFFFFFDD0]  }
0x16d: {  	v1 =	vmul.f32 v13, v1;
	v7 =	vld [tilespmem:s0+$0x200];
	v13 =	vadd.f32 v17, v15  }
0x16e: {  	v4 =	vmul.f32 v20, v4;
	v15 =	vld [tilespmem:s3+$0xFFFFFE50]  }
0x16f: {  	v1 =	vadd.f32 v1, v5;
	v5 =	vmul.f32 v8, v12;
	v8 =	vld [tilespmem:s0+$0x280];
	[tilespmem:s29+$0x190] =	vst v13  }
0x170: {  	v10 =	vmul.f32 v22, v10;
	v12 =	vld [tilespmem:s2+$0x1A0]  }
0x171: {  	[tilespmem:s29+$0xFFFFFE80] =	vst v1;
	v1 =	vadd.f32 v5, v4;
	v4 =	vmul.f32 v6, v14;
	v5 =	vld [tilespmem:s0+$0x3A0]  }
0x172: {  	v2 =	vmul.f32 v7, v2;
	v6 =	vld [tilespmem:s3+$0xFFFFFFF0]  }
0x173: {  	[tilespmem:s29+$0xFFFFFF00] =	vst v1;
	v1 =	vadd.f32 v4, v10;
	v3 =	vmul.f32 v15, v3;
	v4 =	vld [tilespmem:s3+$0xFFFFFED0]  }
0x174: {  	v7 =	vmul.f32 v8, v9;
	v8 =	vld [tilespmem:s0+$0x300]  }
0x175: {  	[tilespmem:s29+$0xFFFFFF80] =	vst v1;
	v1 =	vadd.f32 v3, v2;
	v2 =	vld [tilespmem:s3+$0xFFFFFF50];
	v3 =	vperm.xlane v12, v0  }
0x176: {  	v9 =	vld [tilespmem:s2+$0xFFFFFE10]  }
0x177: {  	v10 =	vld [tilespmem:s2+$0xFFFFFE90];
	[tilespmem:s29+$0x0] =	vst v1;
	v1 =	vmul.f32 v5, v12;
	v3 =	vmul.f32 v6, v3  }
0x178: {  	v5 =	vld [tilespmem:s2+$0xFFFFFF10];
	v4 =	vmul.f32 v4, v16  }
0x179: {  	v6 =	vld [tilespmem:s2+$0xFFFFFF90];
	v8 =	vmul.f32 v8, v11;
	v1 =	vadd.f32 v3, v1  }
0x17a: {  	v3 =	vld [tilespmem:s2+$0x10];
	v4 =	vadd.f32 v4, v7;
	v2 =	vmul.f32 v2, v18  }
0x17b: {  	v7 =	vperm.xlane v9, v0;
	v11 =	vld [tilespmem:s0+$0x10];
	[tilespmem:s29+$0x1A0] =	vst v1  }
0x17c: {  	v1 =	vperm.xlane v10, v0;
	[tilespmem:s29+$0x80] =	vst v4;
	v2 =	vadd.f32 v2, v8;
	v4 =	vld [tilespmem:s2+$0x1B0]  }
0x17d: {  	v8 =	vperm.xlane v5, v0;
	v12 =	vld [tilespmem:s0+$0x3B0]  }
0x17e: {  	v13 =	vperm.xlane v6, v0;
	[tilespmem:s29+$0x100] =	vst v2;
	v2 =	vld [tilespmem:s3+$0x0]  }
0x17f: {  	v14 =	vperm.xlane v3, v0;
	v15 =	vld [tilespmem:s2+$0x90]  }
0x180: {  	v9 =	vmul.f32 v11, v9;
	v11 =	vld [tilespmem:s2+$0x110]  }
0x181: {  	v16 =	vld [tilespmem:s3+$0xFFFFFC60];
	v17 =	vperm.xlane v4, v0  }
0x182: {  	v18 =	vld [tilespmem:s0+$0x90]  }
0x183: {  	v4 =	vmul.f32 v12, v4;
	v19 =	vld [tilespmem:s3+$0xFFFFFCE0];
	v2 =	vmul.f32 v2, v17  }
0x184: {  	v12 =	vld [tilespmem:s0+$0x110];
	v17 =	vperm.xlane v15, v0  }
0x185: {  	v20 =	vld [tilespmem:s3+$0xFFFFFD60];
	v21 =	vperm.xlane v11, v0;
	v2 =	vadd.f32 v2, v4  }
0x186: {  	v4 =	vmul.f32 v16, v7;
	v7 =	vld [tilespmem:s0+$0x190]  }
0x187: {  	v10 =	vmul.f32 v18, v10;
	v16 =	vld [tilespmem:s3+$0xFFFFFDE0];
	[tilespmem:s29+$0x1B0] =	vst v2  }
0x188: {  	v2 =	vadd.f32 v4, v9;
	v1 =	vmul.f32 v19, v1;
	v4 =	vld [tilespmem:s0+$0x210]  }
0x189: {  	v5 =	vmul.f32 v12, v5;
	v9 =	vld [tilespmem:s3+$0xFFFFFE60]  }
0x18a: {  	[tilespmem:s29+$0xFFFFFE10] =	vst v2;
	v1 =	vadd.f32 v1, v10;
	v2 =	vmul.f32 v20, v8;
	v8 =	vld [tilespmem:s0+$0x290]  }
0x18b: {  	v6 =	vmul.f32 v7, v6;
	v7 =	vld [tilespmem:s3+$0xFFFFFEE0]  }
0x18c: {  	[tilespmem:s29+$0xFFFFFE90] =	vst v1;
	v1 =	vadd.f32 v2, v5;
	v2 =	vmul.f32 v16, v13;
	v5 =	vld [tilespmem:s0+$0x310]  }
0x18d: {  	v3 =	vmul.f32 v4, v3;
	v4 =	vld [tilespmem:s3+$0xFFFFFF60]  }
0x18e: {  	v10 =	vld [tilespmem:s2+$0xFFFFFE20];
	[tilespmem:s29+$0xFFFFFF10] =	vst v1;
	v1 =	vadd.f32 v2, v6;
	v2 =	vmul.f32 v9, v14  }
0x18f: {  	v6 =	vld [tilespmem:s2+$0xFFFFFEA0];
	v8 =	vmul.f32 v8, v15  }
0x190: {  	v9 =	vld [tilespmem:s2+$0xFFFFFF20];
	[tilespmem:s29+$0xFFFFFF90] =	vst v1;
	v1 =	vadd.f32 v2, v3;
	v2 =	vmul.f32 v7, v17  }
0x191: {  	v3 =	vld [tilespmem:s2+$0xFFFFFFA0];
	v5 =	vmul.f32 v5, v11  }
0x192: {  	v7 =	vld [tilespmem:s0+$0x20];
	[tilespmem:s29+$0x10] =	vst v1;
	v1 =	vadd.f32 v2, v8;
	v2 =	vmul.f32 v4, v21  }
0x193: {  	v4 =	vperm.xlane v10, v0;
	v8 =	vld [tilespmem:s2+$0x20]  }
0x194: {  	v11 =	vld [tilespmem:s3+$0xFFFFFC70];
	v12 =	vperm.xlane v6, v0;
	[tilespmem:s29+$0x90] =	vst v1;
	v1 =	vadd.f32 v2, v5  }
0x195: {  	v2 =	vperm.xlane v9, v0;
	v5 =	vld [tilespmem:s2+$0xA0]  }
0x196: {  	v13 =	vld [tilespmem:s0+$0xA0];
	v14 =	vperm.xlane v3, v0;
	[tilespmem:s29+$0x110] =	vst v1  }
0x197: {  	v1 =	vmul.f32 v7, v10;
	v7 =	vld [tilespmem:s2+$0x120]  }
0x198: {  	v10 =	vld [tilespmem:s3+$0xFFFFFCF0];
	v15 =	vperm.xlane v8, v0  }
0x199: {  	v4 =	vmul.f32 v11, v4;
	v11 =	vld [tilespmem:s0+$0x120]  }
0x19a: {  	v16 =	vld [tilespmem:s3+$0xFFFFFD70];
	v17 =	vperm.xlane v5, v0  }
0x19b: {  	v1 =	vadd.f32 v4, v1;
	v4 =	vmul.f32 v13, v6;
	v6 =	vld [tilespmem:s0+$0x1A0]  }
0x19c: {  	v13 =	vld [tilespmem:s3+$0xFFFFFDF0];
	v18 =	vperm.xlane v7, v0  }
0x19d: {  	[tilespmem:s29+$0xFFFFFE20] =	vst v1;
	v1 =	vmul.f32 v10, v12;
	v10 =	vld [tilespmem:s0+$0x220]  }
0x19e: {  	v9 =	vmul.f32 v11, v9;
	v11 =	vld [tilespmem:s3+$0xFFFFFE70]  }
0x19f: {  	v1 =	vadd.f32 v1, v4;
	v2 =	vmul.f32 v16, v2;
	v4 =	vld [tilespmem:s0+$0x2A0]  }
0x1a0: {  	v3 =	vmul.f32 v6, v3;
	v6 =	vld [tilespmem:s3+$0xFFFFFEF0]  }
0x1a1: {  	[tilespmem:s29+$0xFFFFFEA0] =	vst v1;
	v1 =	vadd.f32 v2, v9;
	v2 =	vmul.f32 v13, v14;
	v9 =	vld [tilespmem:s0+$0x320]  }
0x1a2: {  	v8 =	vmul.f32 v10, v8;
	v10 =	vld [tilespmem:s3+$0xFFFFFF70]  }
0x1a3: {  	v12 =	vld [tilespmem:s2+$0xFFFFFE30];
	[tilespmem:s29+$0xFFFFFF20] =	vst v1;
	v1 =	vadd.f32 v2, v3;
	v2 =	vmul.f32 v11, v15  }
0x1a4: {  	v15 =	vld [tilespmem:s2+$0xFFFFFEB0];
	v4 =	vmul.f32 v4, v5  }
0x1a5: {  	v5 =	vld [tilespmem:s2+$0xFFFFFF30];
	[tilespmem:s29+$0xFFFFFFA0] =	vst v1;
	v1 =	vadd.f32 v2, v8;
	v2 =	vmul.f32 v6, v17  }
0x1a6: {  	v3 =	vld [tilespmem:s2+$0xFFFFFFB0];
	v6 =	vmul.f32 v9, v7  }
0x1a7: {  	v7 =	vld [tilespmem:s0+$0x30];
	[tilespmem:s29+$0x20] =	vst v1;
	v1 =	vadd.f32 v2, v4;
	v2 =	vmul.f32 v10, v18  }
0x1a8: {  	v13 =	vperm.xlane v12, v0;
	v4 =	vld [tilespmem:s2+$0x30]  }
0x1a9: {  	v14 =	vld [tilespmem:s3+$0xFFFFFC80];
	v11 =	vperm.xlane v15, v0;
	[tilespmem:s29+$0xA0] =	vst v1;
	v2 =	vadd.f32 v2, v6  }
0x1aa: {  	v10 =	vperm.xlane v5, v0;
	v1 =	vld [tilespmem:s2+$0xB0]  }
0x1ab: {  	v16 =	vld [tilespmem:s0+$0xB0];
	v9 =	vperm.xlane v3, v0;
	[tilespmem:s29+$0x120] =	vst v2  }
0x1ac: {  	v7 =	vmul.f32 v7, v12;
	v2 =	vld [tilespmem:s2+$0x130]  }
.Ltmp1:
0x1ad: {  	v12 =	vld [tilespmem:s3+$0xFFFFFD00];
	v8 =	vperm.xlane v4, v0;
	(pc) =	sbr.rel @p0 .LBB2_5-.Ltmp1, $4  }
0x1ae: {  	v17 =	vmul.f32 v14, v13;
	v14 =	vld [tilespmem:s0+$0x130]  }
0x1af: {  	v13 =	vld [tilespmem:s3+$0xFFFFFD80];
	v6 =	vperm.xlane v1, v0  }
0x1b0: {  	v18 =	vadd.f32 v17, v7;
	v17 =	vmul.f32 v16, v15;
	v15 =	vld [tilespmem:s0+$0x1B0]  }
0x1b1: {  	s8 =	sadd.s32 $0x8, s8;
	v16 =	vld [tilespmem:s3+$0xFFFFFE00];
	v7 =	vperm.xlane v2, v0  }
0x1b2: {  	v19 =	vld [tilespmem:s0+$0x230]  }
0x1b3: {  	v20 =	vld [tilespmem:s3+$0xFFFFFE80]  }
0x1b4: {  	v21 =	vld [tilespmem:s0+$0x2B0]  }
0x1b5: {  	v22 =	vld [tilespmem:s3+$0xFFFFFF00]  }
0x1b6: {  	v23 =	vld [tilespmem:s0+$0x330]  }
0x1b7: {  	v11 =	vmul.f32 v12, v11;
	v62 =	vld [tilespmem:s3+$0xFFFFFF80]  }
0x1b8: {  	v5 =	vmul.f32 v14, v5;
	v10 =	vmul.f32 v13, v10  }
0x1b9: {  	v11 =	vadd.f32 v11, v17;
	v3 =	vmul.f32 v15, v3;
	v9 =	vmul.f32 v16, v9  }
0x1ba: {  	[tilespmem:s29+$0xFFFFFE30] =	vst v18;
	v5 =	vadd.f32 v10, v5;
	v4 =	vmul.f32 v19, v4;
	v8 =	vmul.f32 v20, v8  }
0x1bb: {  	s28 =	sadd.s32 $0x1, s28;
	[tilespmem:s29+$0xFFFFFEB0] =	vst v11;
	v1 =	vmul.f32 v21, v1;
	v6 =	vmul.f32 v22, v6;
	v3 =	vadd.f32 v9, v3  }
0x1bc: {  	p0 =	sne.s32 s28, $0x19;
	v2 =	vmul.f32 v23, v2;
	v63 =	vmul.f32 v62, v7;
	[tilespmem:s29+$0xFFFFFF30] =	vst v5;
	v4 =	vadd.f32 v8, v4  }
.Ltmp2:
0x1bd: {  	v1 =	vadd.f32 v6, v1;
	[tilespmem:s29+$0xFFFFFFB0] =	vst v3;
	(pc) =	sbr.rel @p0 .LBB2_2-.Ltmp2, $4  }
0x1be: {  	s31 =	sadd.s32 s5, s11;
	s18 =	sadd.s32 $0x8000, s18;
	s26 =	sadd.s32 $0x100, s26;
	v2 =	vadd.f32 v63, v2;
	[tilespmem:s29+$0x30] =	vst v4  }
0x1bf: {  	s9 =	sadd.s32 $0x8000, s9;
	s23 =	sadd.s32 $0x8000, s23;
	s0 =	sshll.u32 s31, $0x4;
	[tilespmem:s29+$0xB0] =	vst v1  }
0x1c0: {  	s25 =	sadd.s32 $0x100, s25;
	s24 =	sadd.s32 $0x8000, s24;
	s0 =	sadd.s32 s7, s0;
	[tilespmem:s29+$0x130] =	vst v2  }
0x1c1: {  	[hbm4b:s0+s4] =	stream.linear.scatter [tilespmem:s17], [sflag:$0x4], $0x4000, $0x38;
	[tilespmem:$0x1E100] =	vst v63  }
0x1c2: {  	s0 =	simm.s32 $0x3  }
0x1c3: {  	_ =	swait.ge [sflag:s0], $0x4000  }
0x1c4: {  	[sflag:s0] =	ssyncset.done $0x0  }
0x1c5: {  	s2 =	simm.s32 $0x4;
	[sflag:s0] =	ssyncadd.s32 $0xFFFFC000  }
0x1c6: {  	_ =	swait.ge [sflag:s2], $0x4000  }
0x1c7: {  	s20 =	sadd.s32 $0x1, s20;
	s31 =	rddreg [dreg:$0x7]  }
0x1c8: {  	p0 =	sne.s32 s20, s31  }
.Ltmp3:
0x1c9: {  	_ = 	snop;
	(pc) =	sbr.rel @p0 .LBB2_1-.Ltmp3, $3  }
0x1ca: {  	_ =	sdelay $0x1  }
0x1cb: {  	[sflag:s2] =	ssyncset.done $0x0  }
0x1cc: {  	[sflag:s2] =	ssyncadd.s32 $0xFFFFC000  }
0x1cd: {  	_ =	sfence.sel $0x180000  }
0x1ce: {  	[bflag:$0x0] =	sbarrier.arrive $0xFFFF  }
0x1cf: {  	_ =	strace $0x90000047  }
0x1d0: {  	s0 =	stileid.u32;
	[bflag:$0x2] =	sbarrier.arrive $0xFFFF  }
0x1d1: {  	p0 =	sne.s32 s0, $0x0;
	s0 =	rddreg [dreg:$0x4]  }
0x1d2: {  	s0 =	sadd.s32 @!p0 $0x100000, s0  }
0x1d3: {  	[sflag:s0] =	ssyncadd.tile.s32 @!p0 $0x1;
	_ =	shalt  }
.Lfunc_end2:
_tile_overlayer_lowered:
.L_overlay_start_2:
0x1d4: {  	(tag) =	ssettag $0x2  }
0x1d5: {  	s0 =	rddreg [dreg:$0x0];
	s2 =	stileid.u32  }
0x1d6: {  	s1 =	rddreg [dreg:$0x1];
	p0 =	sne.s32 s2, $0x0  }
0x1d7: {  	s3 =	rddreg [dreg:$0x2];
	[bflag:$0x3] =	sbarrier.arrive $0xFFFF;
	s2 =	simm.s32 @!p0 $0x1C05  }
0x1d8: {  	[timem:s3], [sflag:s2] =	dma.local @!p0 [hbm:s0], s1  }
0x1d9: {  	s0 =	simm.s32 @!p0 $0x5  }
0x1da: {  	_ =	swait.ge @!p0 [sflag:s0], s1  }
0x1db: {  	s1 =	ssub.s32 @!p0 $0x0, s1;
	[sflag:s0] =	ssyncset.done @!p0 $0x0  }
0x1dc: {  	[sflag:s0] =	ssyncadd.s32 @!p0 s1  }
0x1dd: {  	[bflag:$0x3] =	sbarrier.arrive $0xFFFF  }
0x1de: {  	_ =	shalt  }

</sc_bundles>
